<compile_context>
chip_gen: v7x
topology: tpu7x:2x2x1
jax: 0.10.2.dev20260603
libtpu: 0.0.44.dev20260713+nightly
codegen_flags: <defaults>
</compile_context>

<pallas_src>
import functools

import jax
import jax.numpy as jnp
from jax import lax
from jax.experimental import pallas as pl
from jax.experimental.pallas import tpu as pltpu
from jax.experimental.pallas import tpu_sc as plsc

_L = 16
_NW = 32
_T = 64
_NBUF = 4


def _cumsum_sc(x, seq_len):
    R, F = x.shape
    fpw = F // _NW
    n_tiles = R // _T
    reset_t = seq_len // _T
    mesh = plsc.VectorSubcoreMesh(core_axis_name="c", subcore_axis_name="s")

    @functools.partial(
        pl.kernel,
        mesh=mesh,
        out_type=jax.ShapeDtypeStruct((R, F), jnp.float32),
        scratch_types=(
            [pltpu.VMEM((_T, fpw), jnp.float32) for _ in range(2 * _NBUF)]
            + [pltpu.SemaphoreType.DMA for _ in range(2 * _NBUF)]
        ),
    )
    def k(x_hbm, out_hbm, *bufs):
        ins = bufs[:_NBUF]
        outs = bufs[_NBUF:2 * _NBUF]
        isems = bufs[2 * _NBUF:3 * _NBUF]
        osems = bufs[3 * _NBUF:]
        wid = lax.axis_index("s") * 2 + lax.axis_index("c")
        f0 = wid * fpw

        def in_copy(t, slot):
            return pltpu.make_async_copy(
                x_hbm.at[pl.ds(t * _T, _T), pl.ds(f0, fpw)], ins[slot],
                isems[slot])

        def out_copy(t, slot):
            return pltpu.make_async_copy(
                outs[slot], out_hbm.at[pl.ds(t * _T, _T), pl.ds(f0, fpw)],
                osems[slot])

        def compute(in_v, out_v, carry):
            def row_body(r2, c):
                for dr in range(2):
                    r = r2 * 2 + dr
                    new = []
                    for j in range(fpw // _L):
                        cj = c[j] + in_v[r, pl.ds(j * _L, _L)]
                        out_v[r, pl.ds(j * _L, _L)] = cj
                        new.append(cj)
                    c = tuple(new)
                return c
            return lax.fori_loop(0, _T // 2, row_body, carry)

        for slot in range(_NBUF):
            in_copy(slot, slot).start()

        def group_body(i, carry):
            t0 = _NBUF * i
            for slot in range(_NBUF):
                t = t0 + slot
                in_copy(t, slot).wait()

                @pl.when(i > 0)
                def _():
                    out_copy(t - _NBUF, slot).wait()

                if slot == reset_t % _NBUF:
                    carry = tuple(
                        jnp.where(t == reset_t, 0.0, c) for c in carry)
                carry = compute(ins[slot], outs[slot], carry)
                out_copy(t, slot).start()

                @pl.when(t + _NBUF < n_tiles)
                def _():
                    in_copy(t + _NBUF, slot).start()
            return carry

        zeros = tuple(jnp.zeros((_L,), jnp.float32) for _ in range(fpw // _L))
        lax.fori_loop(0, n_tiles // _NBUF, group_body, zeros)
        for slot in range(_NBUF):
            out_copy(n_tiles - _NBUF + slot, slot).wait()

    return k(x)


def kernel(input, dim):
    x = input.astype(jnp.float32)
    B, S, F = x.shape
    out = _cumsum_sc(x.reshape(B * S, F), S)
    return out.reshape(B, S, F) + (jnp.asarray(dim) * 0).astype(jnp.float32)

# --- scband reference (transcript-rebuilt; emitter-appended) ---
"""Pipeline reference for scband-qlv4-cumsum-mod-38946763440185 (READ-ONLY COPY).

The authoritative reference and input builder live on the scoring server;
editing this copy changes nothing except your own understanding.
"""

import jax, jax.numpy as jnp
import numpy as np

def setup_inputs(seed: int = 0) -> dict:
    key = jax.random.key(seed)
    x = jax.random.normal(key, (2, 4096, 4096), dtype=jnp.float32)
    return {"input": x, "dim": 1}

def reference(input, dim):
    _input = input
    if jnp.issubdtype(_input.dtype, jnp.floating):
        if _input.dtype != jnp.float32:
            _input = _input.astype(jnp.float32)
    elif _input.dtype != jnp.int32:
        _input = _input.astype(jnp.int32)
    out = jnp.cumsum(_input, axis=1)
    return out + (jnp.asarray(dim) * 0).astype(out.dtype)

if __name__ == "__main__":
    import jax
    _d = setup_inputs()
    print(jax.jit(kernel)(*tuple(_d.values())))

</pallas_src>

<mosaic_0001>
#map = affine_map<(d0, d1) -> (0, 0)>
module attributes {stable_mosaic.version = 14 : i64} {
  func.func @k(%arg0: i32, %arg1: i32, %arg2: memref<8192x4096xf32, #tpu.memory_space<hbm>>, %arg3: memref<8192x4096xf32, #tpu.memory_space<hbm>>, %arg4: memref<64x128xf32, #tpu.memory_space<vmem>>, %arg5: memref<64x128xf32, #tpu.memory_space<vmem>>, %arg6: memref<64x128xf32, #tpu.memory_space<vmem>>, %arg7: memref<64x128xf32, #tpu.memory_space<vmem>>, %arg8: memref<64x128xf32, #tpu.memory_space<vmem>>, %arg9: memref<64x128xf32, #tpu.memory_space<vmem>>, %arg10: memref<64x128xf32, #tpu.memory_space<vmem>>, %arg11: memref<64x128xf32, #tpu.memory_space<vmem>>, %arg12: memref<!tpu.dma_semaphore, #tpu.memory_space<semaphore_mem>>, %arg13: memref<!tpu.dma_semaphore, #tpu.memory_space<semaphore_mem>>, %arg14: memref<!tpu.dma_semaphore, #tpu.memory_space<semaphore_mem>>, %arg15: memref<!tpu.dma_semaphore, #tpu.memory_space<semaphore_mem>>, %arg16: memref<!tpu.dma_semaphore, #tpu.memory_space<semaphore_mem>>, %arg17: memref<!tpu.dma_semaphore, #tpu.memory_space<semaphore_mem>>, %arg18: memref<!tpu.dma_semaphore, #tpu.memory_space<semaphore_mem>>, %arg19: memref<!tpu.dma_semaphore, #tpu.memory_space<semaphore_mem>>) attributes {dimension_semantics = [#tpu.dimension_semantics<core_parallel>, #tpu.dimension_semantics<subcore_parallel>], iteration_bounds = array<i64: 2, 16>, scalar_prefetch = 0 : i64, scratch_operands = 16 : i64, tpu.core_type = #tpu.core_type<sc_vector_subcore>, window_params = [{transform_indices = #map}, {transform_indices = #map}]} {
    %mul3A = arith.constant 2 : i32
    %mul3A_0 = arith.muli %arg1, %mul3A : i32
    %add3A = arith.addi %mul3A_0, %arg0 : i32
    %mul3A_1 = arith.constant 128 : i32
    %mul3A_2 = arith.muli %add3A, %mul3A_1 : i32
    %dma_start3A = arith.constant 0 : i32
    %dma_start3A_3 = tpu.memref_slice %arg2[%dma_start3A, %mul3A_2] : memref<8192x4096xf32, #tpu.memory_space<hbm>> -> memref<64x128xf32, #tpu.memory_space<hbm>>
    %dma_start3A_4 = arith.constant 0 : i32
    %dma_start3A_5 = tpu.memref_slice %arg2[%dma_start3A_4, %mul3A_2] : memref<8192x4096xf32, #tpu.memory_space<hbm>> -> memref<64x128xf32, #tpu.memory_space<hbm>>
    tpu.enqueue_dma source(%dma_start3A_5 : memref<64x128xf32, #tpu.memory_space<hbm>>) target(%arg4 : memref<64x128xf32, #tpu.memory_space<vmem>>) target_semaphore(%arg12 : memref<!tpu.dma_semaphore, #tpu.memory_space<semaphore_mem>>)
    %dma_start3A_6 = arith.constant 64 : i32
    %dma_start3A_7 = tpu.memref_slice %arg2[%dma_start3A_6, %mul3A_2] : memref<8192x4096xf32, #tpu.memory_space<hbm>> -> memref<64x128xf32, #tpu.memory_space<hbm>>
    %dma_start3A_8 = arith.constant 64 : i32
    %dma_start3A_9 = tpu.memref_slice %arg2[%dma_start3A_8, %mul3A_2] : memref<8192x4096xf32, #tpu.memory_space<hbm>> -> memref<64x128xf32, #tpu.memory_space<hbm>>
    tpu.enqueue_dma source(%dma_start3A_9 : memref<64x128xf32, #tpu.memory_space<hbm>>) target(%arg5 : memref<64x128xf32, #tpu.memory_space<vmem>>) target_semaphore(%arg13 : memref<!tpu.dma_semaphore, #tpu.memory_space<semaphore_mem>>)
    %dma_start3A_10 = arith.constant 128 : i32
    %dma_start3A_11 = tpu.memref_slice %arg2[%dma_start3A_10, %mul3A_2] : memref<8192x4096xf32, #tpu.memory_space<hbm>> -> memref<64x128xf32, #tpu.memory_space<hbm>>
    %dma_start3A_12 = arith.constant 128 : i32
    %dma_start3A_13 = tpu.memref_slice %arg2[%dma_start3A_12, %mul3A_2] : memref<8192x4096xf32, #tpu.memory_space<hbm>> -> memref<64x128xf32, #tpu.memory_space<hbm>>
    tpu.enqueue_dma source(%dma_start3A_13 : memref<64x128xf32, #tpu.memory_space<hbm>>) target(%arg6 : memref<64x128xf32, #tpu.memory_space<vmem>>) target_semaphore(%arg14 : memref<!tpu.dma_semaphore, #tpu.memory_space<semaphore_mem>>)
    %dma_start3A_14 = arith.constant 192 : i32
    %dma_start3A_15 = tpu.memref_slice %arg2[%dma_start3A_14, %mul3A_2] : memref<8192x4096xf32, #tpu.memory_space<hbm>> -> memref<64x128xf32, #tpu.memory_space<hbm>>
    %dma_start3A_16 = arith.constant 192 : i32
    %dma_start3A_17 = tpu.memref_slice %arg2[%dma_start3A_16, %mul3A_2] : memref<8192x4096xf32, #tpu.memory_space<hbm>> -> memref<64x128xf32, #tpu.memory_space<hbm>>
    tpu.enqueue_dma source(%dma_start3A_17 : memref<64x128xf32, #tpu.memory_space<hbm>>) target(%arg7 : memref<64x128xf32, #tpu.memory_space<vmem>>) target_semaphore(%arg15 : memref<!tpu.dma_semaphore, #tpu.memory_space<semaphore_mem>>)
    %broadcast_in_dim3A = arith.constant 0.000000e+00 : f32
    %broadcast_in_dim3A_18 = vector.broadcast %broadcast_in_dim3A : f32 to vector<16xf32>
    %broadcast_in_dim3A_19 = arith.constant 0.000000e+00 : f32
    %broadcast_in_dim3A_20 = vector.broadcast %broadcast_in_dim3A_19 : f32 to vector<16xf32>
    %broadcast_in_dim3A_21 = arith.constant 0.000000e+00 : f32
    %broadcast_in_dim3A_22 = vector.broadcast %broadcast_in_dim3A_21 : f32 to vector<16xf32>
    %broadcast_in_dim3A_23 = arith.constant 0.000000e+00 : f32
    %broadcast_in_dim3A_24 = vector.broadcast %broadcast_in_dim3A_23 : f32 to vector<16xf32>
    %broadcast_in_dim3A_25 = arith.constant 0.000000e+00 : f32
    %broadcast_in_dim3A_26 = vector.broadcast %broadcast_in_dim3A_25 : f32 to vector<16xf32>
    %broadcast_in_dim3A_27 = arith.constant 0.000000e+00 : f32
    %broadcast_in_dim3A_28 = vector.broadcast %broadcast_in_dim3A_27 : f32 to vector<16xf32>
    %broadcast_in_dim3A_29 = arith.constant 0.000000e+00 : f32
    %broadcast_in_dim3A_30 = vector.broadcast %broadcast_in_dim3A_29 : f32 to vector<16xf32>
    %broadcast_in_dim3A_31 = arith.constant 0.000000e+00 : f32
    %broadcast_in_dim3A_32 = vector.broadcast %broadcast_in_dim3A_31 : f32 to vector<16xf32>
    %scan3A = arith.constant 0 : i32
    %scan3A_33 = arith.constant 32 : i32
    %scan3A_34 = arith.addi %scan3A, %scan3A_33 : i32
    %scan3A_35 = arith.constant 1 : i32
    %scan3A_36:8 = scf.for %scan3A_53 = %scan3A to %scan3A_34 step %scan3A_35 iter_args(%scan3A_54 = %broadcast_in_dim3A_18, %scan3A_55 = %broadcast_in_dim3A_20, %scan3A_56 = %broadcast_in_dim3A_22, %scan3A_57 = %broadcast_in_dim3A_24, %scan3A_58 = %broadcast_in_dim3A_26, %scan3A_59 = %broadcast_in_dim3A_28, %scan3A_60 = %broadcast_in_dim3A_30, %scan3A_61 = %broadcast_in_dim3A_32) -> (vector<16xf32>, vector<16xf32>, vector<16xf32>, vector<16xf32>, vector<16xf32>, vector<16xf32>, vector<16xf32>, vector<16xf32>)  : i32 {
      %mul3A_62 = arith.constant 4 : i32
      %mul3A_63 = arith.muli %mul3A_62, %scan3A_53 : i32
      %add3A_64 = arith.constant 0 : i32
      %add3A_65 = arith.addi %mul3A_63, %add3A_64 : i32
      %mul3A_66 = arith.constant 64 : i32
      %mul3A_67 = arith.muli %add3A_65, %mul3A_66 : i32
      %dma_wait3A_68 = tpu.memref_slice %arg2[%mul3A_67, %mul3A_2] : memref<8192x4096xf32, #tpu.memory_space<hbm>> -> memref<64x128xf32, #tpu.memory_space<hbm>>
      %dma_wait3A_69 = tpu.memref_slice %arg2[%mul3A_67, %mul3A_2] : memref<8192x4096xf32, #tpu.memory_space<hbm>> -> memref<64x128xf32, #tpu.memory_space<hbm>>
      tpu.wait_dma2 semaphore(%arg12 : memref<!tpu.dma_semaphore, #tpu.memory_space<semaphore_mem>>) src(%dma_wait3A_69 : memref<64x128xf32, #tpu.memory_space<hbm>>) dst(%arg4 : memref<64x128xf32, #tpu.memory_space<vmem>>)
      %gt3A = arith.constant 0 : i32
      %gt3A_70 = arith.cmpi sgt, %scan3A_53, %gt3A : i32
      %convert_element_type3A = arith.extui %gt3A_70 : i1 to i32
      %cond3A = arith.constant 0 : i32
      %cond3A_71 = arith.cmpi ne, %convert_element_type3A, %cond3A : i32
      scf.if %cond3A_71 {
        %sub3A = arith.constant 4 : i32
        %sub3A_209 = arith.subi %add3A_65, %sub3A : i32
        %mul3A_210 = arith.constant 64 : i32
        %mul3A_211 = arith.muli %sub3A_209, %mul3A_210 : i32
        %dma_wait3A_212 = tpu.memref_slice %arg3[%mul3A_211, %mul3A_2] : memref<8192x4096xf32, #tpu.memory_space<hbm>> -> memref<64x128xf32, #tpu.memory_space<hbm>>
        %dma_wait3A_213 = tpu.memref_slice %arg3[%mul3A_211, %mul3A_2] : memref<8192x4096xf32, #tpu.memory_space<hbm>> -> memref<64x128xf32, #tpu.memory_space<hbm>>
        tpu.wait_dma2 semaphore(%arg16 : memref<!tpu.dma_semaphore, #tpu.memory_space<semaphore_mem>>) src(%arg8 : memref<64x128xf32, #tpu.memory_space<vmem>>) dst(%dma_wait3A_213 : memref<64x128xf32, #tpu.memory_space<hbm>>)
      } else {
      }
      %eq3A = arith.constant 64 : i32
      %eq3A_72 = arith.cmpi eq, %add3A_65, %eq3A : i32
      %jit3A = arith.constant 0.000000e+00 : f32
      %broadcast_in_dim3A_73 = vector.broadcast %jit3A : f32 to vector<16xf32>
      %select_n3A = arith.select %eq3A_72, %broadcast_in_dim3A_73, %scan3A_54 : vector<16xf32>
      %eq3A_74 = arith.constant 64 : i32
      %eq3A_75 = arith.cmpi eq, %add3A_65, %eq3A_74 : i32
      %jit3A_76 = arith.constant 0.000000e+00 : f32
      %broadcast_in_dim3A_77 = vector.broadcast %jit3A_76 : f32 to vector<16xf32>
      %select_n3A_78 = arith.select %eq3A_75, %broadcast_in_dim3A_77, %scan3A_55 : vector<16xf32>
      %eq3A_79 = arith.constant 64 : i32
      %eq3A_80 = arith.cmpi eq, %add3A_65, %eq3A_79 : i32
      %jit3A_81 = arith.constant 0.000000e+00 : f32
      %broadcast_in_dim3A_82 = vector.broadcast %jit3A_81 : f32 to vector<16xf32>
      %select_n3A_83 = arith.select %eq3A_80, %broadcast_in_dim3A_82, %scan3A_56 : vector<16xf32>
      %eq3A_84 = arith.constant 64 : i32
      %eq3A_85 = arith.cmpi eq, %add3A_65, %eq3A_84 : i32
      %jit3A_86 = arith.constant 0.000000e+00 : f32
      %broadcast_in_dim3A_87 = vector.broadcast %jit3A_86 : f32 to vector<16xf32>
      %select_n3A_88 = arith.select %eq3A_85, %broadcast_in_dim3A_87, %scan3A_57 : vector<16xf32>
      %eq3A_89 = arith.constant 64 : i32
      %eq3A_90 = arith.cmpi eq, %add3A_65, %eq3A_89 : i32
      %jit3A_91 = arith.constant 0.000000e+00 : f32
      %broadcast_in_dim3A_92 = vector.broadcast %jit3A_91 : f32 to vector<16xf32>
      %select_n3A_93 = arith.select %eq3A_90, %broadcast_in_dim3A_92, %scan3A_58 : vector<16xf32>
      %eq3A_94 = arith.constant 64 : i32
      %eq3A_95 = arith.cmpi eq, %add3A_65, %eq3A_94 : i32
      %jit3A_96 = arith.constant 0.000000e+00 : f32
      %broadcast_in_dim3A_97 = vector.broadcast %jit3A_96 : f32 to vector<16xf32>
      %select_n3A_98 = arith.select %eq3A_95, %broadcast_in_dim3A_97, %scan3A_59 : vector<16xf32>
      %eq3A_99 = arith.constant 64 : i32
      %eq3A_100 = arith.cmpi eq, %add3A_65, %eq3A_99 : i32
      %jit3A_101 = arith.constant 0.000000e+00 : f32
      %broadcast_in_dim3A_102 = vector.broadcast %jit3A_101 : f32 to vector<16xf32>
      %select_n3A_103 = arith.select %eq3A_100, %broadcast_in_dim3A_102, %scan3A_60 : vector<16xf32>
      %eq3A_104 = arith.constant 64 : i32
      %eq3A_105 = arith.cmpi eq, %add3A_65, %eq3A_104 : i32
      %jit3A_106 = arith.constant 0.000000e+00 : f32
      %broadcast_in_dim3A_107 = vector.broadcast %jit3A_106 : f32 to vector<16xf32>
      %select_n3A_108 = arith.select %eq3A_105, %broadcast_in_dim3A_107, %scan3A_61 : vector<16xf32>
      %scan3A_109 = arith.constant 0 : i32
      %scan3A_110 = arith.constant 32 : i32
      %scan3A_111 = arith.addi %scan3A_109, %scan3A_110 : i32
      %scan3A_112 = arith.constant 1 : i32
      %scan3A_113:8 = scf.for %scan3A_209 = %scan3A_109 to %scan3A_111 step %scan3A_112 iter_args(%scan3A_210 = %select_n3A, %scan3A_211 = %select_n3A_78, %scan3A_212 = %select_n3A_83, %scan3A_213 = %select_n3A_88, %scan3A_214 = %select_n3A_93, %scan3A_215 = %select_n3A_98, %scan3A_216 = %select_n3A_103, %scan3A_217 = %select_n3A_108) -> (vector<16xf32>, vector<16xf32>, vector<16xf32>, vector<16xf32>, vector<16xf32>, vector<16xf32>, vector<16xf32>, vector<16xf32>)  : i32 {
        %mul3A_218 = arith.constant 2 : i32
        %mul3A_219 = arith.muli %scan3A_209, %mul3A_218 : i32
        %add3A_220 = arith.constant 0 : i32
        %add3A_221 = arith.addi %mul3A_219, %add3A_220 : i32
        %get3A = arith.index_cast %add3A_221 : i32 to index
        %get3A_222 = arith.constant 0 : index
        %get3A_223 = tpu.vector_load %arg4[%get3A, %get3A_222] {strides = array<i32>} : memref<64x128xf32, #tpu.memory_space<vmem>>, vector<1x16xf32>,
        %get3A_224 = vector.shape_cast %get3A_223 : vector<1x16xf32> to vector<16xf32>
        %add3A_225 = arith.addf %scan3A_210, %get3A_224 : vector<16xf32>
        %swap3A = arith.index_cast %add3A_221 : i32 to index
        %swap3A_226 = arith.constant 0 : index
        %swap3A_227 = tpu.vector_load %arg8[%swap3A, %swap3A_226] {strides = array<i32>} : memref<64x128xf32, #tpu.memory_space<vmem>>, vector<1x16xf32>,
        %swap3A_228 = vector.shape_cast %swap3A_227 : vector<1x16xf32> to vector<16xf32>
        %swap3A_229 = vector.shape_cast %add3A_225 : vector<16xf32> to vector<1x16xf32>
        tpu.vector_store %arg8[%swap3A, %swap3A_226], %swap3A_229 {strides = array<i32>} : memref<64x128xf32, #tpu.memory_space<vmem>>, vector<1x16xf32>,
        %get3A_230 = arith.index_cast %add3A_221 : i32 to index
        %get3A_231 = arith.constant 16 : index
        %get3A_232 = tpu.vector_load %arg4[%get3A_230, %get3A_231] {strides = array<i32>} : memref<64x128xf32, #tpu.memory_space<vmem>>, vector<1x16xf32>,
        %get3A_233 = vector.shape_cast %get3A_232 : vector<1x16xf32> to vector<16xf32>
        %add3A_234 = arith.addf %scan3A_211, %get3A_233 : vector<16xf32>
        %swap3A_235 = arith.index_cast %add3A_221 : i32 to index
        %swap3A_236 = arith.constant 16 : index
        %swap3A_237 = tpu.vector_load %arg8[%swap3A_235, %swap3A_236] {strides = array<i32>} : memref<64x128xf32, #tpu.memory_space<vmem>>, vector<1x16xf32>,
        %swap3A_238 = vector.shape_cast %swap3A_237 : vector<1x16xf32> to vector<16xf32>
        %swap3A_239 = vector.shape_cast %add3A_234 : vector<16xf32> to vector<1x16xf32>
        tpu.vector_store %arg8[%swap3A_235, %swap3A_236], %swap3A_239 {strides = array<i32>} : memref<64x128xf32, #tpu.memory_space<vmem>>, vector<1x16xf32>,
        %get3A_240 = arith.index_cast %add3A_221 : i32 to index
        %get3A_241 = arith.constant 32 : index
        %get3A_242 = tpu.vector_load %arg4[%get3A_240, %get3A_241] {strides = array<i32>} : memref<64x128xf32, #tpu.memory_space<vmem>>, vector<1x16xf32>,
        %get3A_243 = vector.shape_cast %get3A_242 : vector<1x16xf32> to vector<16xf32>
        %add3A_244 = arith.addf %scan3A_212, %get3A_243 : vector<16xf32>
        %swap3A_245 = arith.index_cast %add3A_221 : i32 to index
        %swap3A_246 = arith.constant 32 : index
        %swap3A_247 = tpu.vector_load %arg8[%swap3A_245, %swap3A_246] {strides = array<i32>} : memref<64x128xf32, #tpu.memory_space<vmem>>, vector<1x16xf32>,
        %swap3A_248 = vector.shape_cast %swap3A_247 : vector<1x16xf32> to vector<16xf32>
        %swap3A_249 = vector.shape_cast %add3A_244 : vector<16xf32> to vector<1x16xf32>
        tpu.vector_store %arg8[%swap3A_245, %swap3A_246], %swap3A_249 {strides = array<i32>} : memref<64x128xf32, #tpu.memory_space<vmem>>, vector<1x16xf32>,
        %get3A_250 = arith.index_cast %add3A_221 : i32 to index
        %get3A_251 = arith.constant 48 : index
        %get3A_252 = tpu.vector_load %arg4[%get3A_250, %get3A_251] {strides = array<i32>} : memref<64x128xf32, #tpu.memory_space<vmem>>, vector<1x16xf32>,
        %get3A_253 = vector.shape_cast %get3A_252 : vector<1x16xf32> to vector<16xf32>
        %add3A_254 = arith.addf %scan3A_213, %get3A_253 : vector<16xf32>
        %swap3A_255 = arith.index_cast %add3A_221 : i32 to index
        %swap3A_256 = arith.constant 48 : index
        %swap3A_257 = tpu.vector_load %arg8[%swap3A_255, %swap3A_256] {strides = array<i32>} : memref<64x128xf32, #tpu.memory_space<vmem>>, vector<1x16xf32>,
        %swap3A_258 = vector.shape_cast %swap3A_257 : vector<1x16xf32> to vector<16xf32>
        %swap3A_259 = vector.shape_cast %add3A_254 : vector<16xf32> to vector<1x16xf32>
        tpu.vector_store %arg8[%swap3A_255, %swap3A_256], %swap3A_259 {strides = array<i32>} : memref<64x128xf32, #tpu.memory_space<vmem>>, vector<1x16xf32>,
        %get3A_260 = arith.index_cast %add3A_221 : i32 to index
        %get3A_261 = arith.constant 64 : index
        %get3A_262 = tpu.vector_load %arg4[%get3A_260, %get3A_261] {strides = array<i32>} : memref<64x128xf32, #tpu.memory_space<vmem>>, vector<1x16xf32>,
        %get3A_263 = vector.shape_cast %get3A_262 : vector<1x16xf32> to vector<16xf32>
        %add3A_264 = arith.addf %scan3A_214, %get3A_263 : vector<16xf32>
        %swap3A_265 = arith.index_cast %add3A_221 : i32 to index
        %swap3A_266 = arith.constant 64 : index
        %swap3A_267 = tpu.vector_load %arg8[%swap3A_265, %swap3A_266] {strides = array<i32>} : memref<64x128xf32, #tpu.memory_space<vmem>>, vector<1x16xf32>,
        %swap3A_268 = vector.shape_cast %swap3A_267 : vector<1x16xf32> to vector<16xf32>
        %swap3A_269 = vector.shape_cast %add3A_264 : vector<16xf32> to vector<1x16xf32>
        tpu.vector_store %arg8[%swap3A_265, %swap3A_266], %swap3A_269 {strides = array<i32>} : memref<64x128xf32, #tpu.memory_space<vmem>>, vector<1x16xf32>,
        %get3A_270 = arith.index_cast %add3A_221 : i32 to index
        %get3A_271 = arith.constant 80 : index
        %get3A_272 = tpu.vector_load %arg4[%get3A_270, %get3A_271] {strides = array<i32>} : memref<64x128xf32, #tpu.memory_space<vmem>>, vector<1x16xf32>,
        %get3A_273 = vector.shape_cast %get3A_272 : vector<1x16xf32> to vector<16xf32>
        %add3A_274 = arith.addf %scan3A_215, %get3A_273 : vector<16xf32>
        %swap3A_275 = arith.index_cast %add3A_221 : i32 to index
        %swap3A_276 = arith.constant 80 : index
        %swap3A_277 = tpu.vector_load %arg8[%swap3A_275, %swap3A_276] {strides = array<i32>} : memref<64x128xf32, #tpu.memory_space<vmem>>, vector<1x16xf32>,
        %swap3A_278 = vector.shape_cast %swap3A_277 : vector<1x16xf32> to vector<16xf32>
        %swap3A_279 = vector.shape_cast %add3A_274 : vector<16xf32> to vector<1x16xf32>
        tpu.vector_store %arg8[%swap3A_275, %swap3A_276], %swap3A_279 {strides = array<i32>} : memref<64x128xf32, #tpu.memory_space<vmem>>, vector<1x16xf32>,
        %get3A_280 = arith.index_cast %add3A_221 : i32 to index
        %get3A_281 = arith.constant 96 : index
        %get3A_282 = tpu.vector_load %arg4[%get3A_280, %get3A_281] {strides = array<i32>} : memref<64x128xf32, #tpu.memory_space<vmem>>, vector<1x16xf32>,
        %get3A_283 = vector.shape_cast %get3A_282 : vector<1x16xf32> to vector<16xf32>
        %add3A_284 = arith.addf %scan3A_216, %get3A_283 : vector<16xf32>
        %swap3A_285 = arith.index_cast %add3A_221 : i32 to index
        %swap3A_286 = arith.constant 96 : index
        %swap3A_287 = tpu.vector_load %arg8[%swap3A_285, %swap3A_286] {strides = array<i32>} : memref<64x128xf32, #tpu.memory_space<vmem>>, vector<1x16xf32>,
        %swap3A_288 = vector.shape_cast %swap3A_287 : vector<1x16xf32> to vector<16xf32>
        %swap3A_289 = vector.shape_cast %add3A_284 : vector<16xf32> to vector<1x16xf32>
        tpu.vector_store %arg8[%swap3A_285, %swap3A_286], %swap3A_289 {strides = array<i32>} : memref<64x128xf32, #tpu.memory_space<vmem>>, vector<1x16xf32>,
        %get3A_290 = arith.index_cast %add3A_221 : i32 to index
        %get3A_291 = arith.constant 112 : index
        %get3A_292 = tpu.vector_load %arg4[%get3A_290, %get3A_291] {strides = array<i32>} : memref<64x128xf32, #tpu.memory_space<vmem>>, vector<1x16xf32>,
        %get3A_293 = vector.shape_cast %get3A_292 : vector<1x16xf32> to vector<16xf32>
        %add3A_294 = arith.addf %scan3A_217, %get3A_293 : vector<16xf32>
        %swap3A_295 = arith.index_cast %add3A_221 : i32 to index
        %swap3A_296 = arith.constant 112 : index
        %swap3A_297 = tpu.vector_load %arg8[%swap3A_295, %swap3A_296] {strides = array<i32>} : memref<64x128xf32, #tpu.memory_space<vmem>>, vector<1x16xf32>,
        %swap3A_298 = vector.shape_cast %swap3A_297 : vector<1x16xf32> to vector<16xf32>
        %swap3A_299 = vector.shape_cast %add3A_294 : vector<16xf32> to vector<1x16xf32>
        tpu.vector_store %arg8[%swap3A_295, %swap3A_296], %swap3A_299 {strides = array<i32>} : memref<64x128xf32, #tpu.memory_space<vmem>>, vector<1x16xf32>,
        %mul3A_300 = arith.constant 2 : i32
        %mul3A_301 = arith.muli %scan3A_209, %mul3A_300 : i32
        %add3A_302 = arith.constant 1 : i32
        %add3A_303 = arith.addi %mul3A_301, %add3A_302 : i32
        %get3A_304 = arith.index_cast %add3A_303 : i32 to index
        %get3A_305 = arith.constant 0 : index
        %get3A_306 = tpu.vector_load %arg4[%get3A_304, %get3A_305] {strides = array<i32>} : memref<64x128xf32, #tpu.memory_space<vmem>>, vector<1x16xf32>,
        %get3A_307 = vector.shape_cast %get3A_306 : vector<1x16xf32> to vector<16xf32>
        %add3A_308 = arith.addf %add3A_225, %get3A_307 : vector<16xf32>
        %swap3A_309 = arith.index_cast %add3A_303 : i32 to index
        %swap3A_310 = arith.constant 0 : index
        %swap3A_311 = tpu.vector_load %arg8[%swap3A_309, %swap3A_310] {strides = array<i32>} : memref<64x128xf32, #tpu.memory_space<vmem>>, vector<1x16xf32>,
        %swap3A_312 = vector.shape_cast %swap3A_311 : vector<1x16xf32> to vector<16xf32>
        %swap3A_313 = vector.shape_cast %add3A_308 : vector<16xf32> to vector<1x16xf32>
        tpu.vector_store %arg8[%swap3A_309, %swap3A_310], %swap3A_313 {strides = array<i32>} : memref<64x128xf32, #tpu.memory_space<vmem>>, vector<1x16xf32>,
        %get3A_314 = arith.index_cast %add3A_303 : i32 to index
        %get3A_315 = arith.constant 16 : index
        %get3A_316 = tpu.vector_load %arg4[%get3A_314, %get3A_315] {strides = array<i32>} : memref<64x128xf32, #tpu.memory_space<vmem>>, vector<1x16xf32>,
        %get3A_317 = vector.shape_cast %get3A_316 : vector<1x16xf32> to vector<16xf32>
        %add3A_318 = arith.addf %add3A_234, %get3A_317 : vector<16xf32>
        %swap3A_319 = arith.index_cast %add3A_303 : i32 to index
        %swap3A_320 = arith.constant 16 : index
        %swap3A_321 = tpu.vector_load %arg8[%swap3A_319, %swap3A_320] {strides = array<i32>} : memref<64x128xf32, #tpu.memory_space<vmem>>, vector<1x16xf32>,
        %swap3A_322 = vector.shape_cast %swap3A_321 : vector<1x16xf32> to vector<16xf32>
        %swap3A_323 = vector.shape_cast %add3A_318 : vector<16xf32> to vector<1x16xf32>
        tpu.vector_store %arg8[%swap3A_319, %swap3A_320], %swap3A_323 {strides = array<i32>} : memref<64x128xf32, #tpu.memory_space<vmem>>, vector<1x16xf32>,
        %get3A_324 = arith.index_cast %add3A_303 : i32 to index
        %get3A_325 = arith.constant 32 : index
        %get3A_326 = tpu.vector_load %arg4[%get3A_324, %get3A_325] {strides = array<i32>} : memref<64x128xf32, #tpu.memory_space<vmem>>, vector<1x16xf32>,
        %get3A_327 = vector.shape_cast %get3A_326 : vector<1x16xf32> to vector<16xf32>
        %add3A_328 = arith.addf %add3A_244, %get3A_327 : vector<16xf32>
        %swap3A_329 = arith.index_cast %add3A_303 : i32 to index
        %swap3A_330 = arith.constant 32 : index
        %swap3A_331 = tpu.vector_load %arg8[%swap3A_329, %swap3A_330] {strides = array<i32>} : memref<64x128xf32, #tpu.memory_space<vmem>>, vector<1x16xf32>,
        %swap3A_332 = vector.shape_cast %swap3A_331 : vector<1x16xf32> to vector<16xf32>
        %swap3A_333 = vector.shape_cast %add3A_328 : vector<16xf32> to vector<1x16xf32>
        tpu.vector_store %arg8[%swap3A_329, %swap3A_330], %swap3A_333 {strides = array<i32>} : memref<64x128xf32, #tpu.memory_space<vmem>>, vector<1x16xf32>,
        %get3A_334 = arith.index_cast %add3A_303 : i32 to index
        %get3A_335 = arith.constant 48 : index
        %get3A_336 = tpu.vector_load %arg4[%get3A_334, %get3A_335] {strides = array<i32>} : memref<64x128xf32, #tpu.memory_space<vmem>>, vector<1x16xf32>,
        %get3A_337 = vector.shape_cast %get3A_336 : vector<1x16xf32> to vector<16xf32>
        %add3A_338 = arith.addf %add3A_254, %get3A_337 : vector<16xf32>
        %swap3A_339 = arith.index_cast %add3A_303 : i32 to index
        %swap3A_340 = arith.constant 48 : index
        %swap3A_341 = tpu.vector_load %arg8[%swap3A_339, %swap3A_340] {strides = array<i32>} : memref<64x128xf32, #tpu.memory_space<vmem>>, vector<1x16xf32>,
        %swap3A_342 = vector.shape_cast %swap3A_341 : vector<1x16xf32> to vector<16xf32>
        %swap3A_343 = vector.shape_cast %add3A_338 : vector<16xf32> to vector<1x16xf32>
        tpu.vector_store %arg8[%swap3A_339, %swap3A_340], %swap3A_343 {strides = array<i32>} : memref<64x128xf32, #tpu.memory_space<vmem>>, vector<1x16xf32>,
        %get3A_344 = arith.index_cast %add3A_303 : i32 to index
        %get3A_345 = arith.constant 64 : index
        %get3A_346 = tpu.vector_load %arg4[%get3A_344, %get3A_345] {strides = array<i32>} : memref<64x128xf32, #tpu.memory_space<vmem>>, vector<1x16xf32>,
        %get3A_347 = vector.shape_cast %get3A_346 : vector<1x16xf32> to vector<16xf32>
        %add3A_348 = arith.addf %add3A_264, %get3A_347 : vector<16xf32>
        %swap3A_349 = arith.index_cast %add3A_303 : i32 to index
        %swap3A_350 = arith.constant 64 : index
        %swap3A_351 = tpu.vector_load %arg8[%swap3A_349, %swap3A_350] {strides = array<i32>} : memref<64x128xf32, #tpu.memory_space<vmem>>, vector<1x16xf32>,
        %swap3A_352 = vector.shape_cast %swap3A_351 : vector<1x16xf32> to vector<16xf32>
        %swap3A_353 = vector.shape_cast %add3A_348 : vector<16xf32> to vector<1x16xf32>
        tpu.vector_store %arg8[%swap3A_349, %swap3A_350], %swap3A_353 {strides = array<i32>} : memref<64x128xf32, #tpu.memory_space<vmem>>, vector<1x16xf32>,
        %get3A_354 = arith.index_cast %add3A_303 : i32 to index
        %get3A_355 = arith.constant 80 : index
        %get3A_356 = tpu.vector_load %arg4[%get3A_354, %get3A_355] {strides = array<i32>} : memref<64x128xf32, #tpu.memory_space<vmem>>, vector<1x16xf32>,
        %get3A_357 = vector.shape_cast %get3A_356 : vector<1x16xf32> to vector<16xf32>
        %add3A_358 = arith.addf %add3A_274, %get3A_357 : vector<16xf32>
        %swap3A_359 = arith.index_cast %add3A_303 : i32 to index
        %swap3A_360 = arith.constant 80 : index
        %swap3A_361 = tpu.vector_load %arg8[%swap3A_359, %swap3A_360] {strides = array<i32>} : memref<64x128xf32, #tpu.memory_space<vmem>>, vector<1x16xf32>,
        %swap3A_362 = vector.shape_cast %swap3A_361 : vector<1x16xf32> to vector<16xf32>
        %swap3A_363 = vector.shape_cast %add3A_358 : vector<16xf32> to vector<1x16xf32>
        tpu.vector_store %arg8[%swap3A_359, %swap3A_360], %swap3A_363 {strides = array<i32>} : memref<64x128xf32, #tpu.memory_space<vmem>>, vector<1x16xf32>,
        %get3A_364 = arith.index_cast %add3A_303 : i32 to index
        %get3A_365 = arith.constant 96 : index
        %get3A_366 = tpu.vector_load %arg4[%get3A_364, %get3A_365] {strides = array<i32>} : memref<64x128xf32, #tpu.memory_space<vmem>>, vector<1x16xf32>,
        %get3A_367 = vector.shape_cast %get3A_366 : vector<1x16xf32> to vector<16xf32>
        %add3A_368 = arith.addf %add3A_284, %get3A_367 : vector<16xf32>
        %swap3A_369 = arith.index_cast %add3A_303 : i32 to index
        %swap3A_370 = arith.constant 96 : index
        %swap3A_371 = tpu.vector_load %arg8[%swap3A_369, %swap3A_370] {strides = array<i32>} : memref<64x128xf32, #tpu.memory_space<vmem>>, vector<1x16xf32>,
        %swap3A_372 = vector.shape_cast %swap3A_371 : vector<1x16xf32> to vector<16xf32>
        %swap3A_373 = vector.shape_cast %add3A_368 : vector<16xf32> to vector<1x16xf32>
        tpu.vector_store %arg8[%swap3A_369, %swap3A_370], %swap3A_373 {strides = array<i32>} : memref<64x128xf32, #tpu.memory_space<vmem>>, vector<1x16xf32>,
        %get3A_374 = arith.index_cast %add3A_303 : i32 to index
        %get3A_375 = arith.constant 112 : index
        %get3A_376 = tpu.vector_load %arg4[%get3A_374, %get3A_375] {strides = array<i32>} : memref<64x128xf32, #tpu.memory_space<vmem>>, vector<1x16xf32>,
        %get3A_377 = vector.shape_cast %get3A_376 : vector<1x16xf32> to vector<16xf32>
        %add3A_378 = arith.addf %add3A_294, %get3A_377 : vector<16xf32>
        %swap3A_379 = arith.index_cast %add3A_303 : i32 to index
        %swap3A_380 = arith.constant 112 : index
        %swap3A_381 = tpu.vector_load %arg8[%swap3A_379, %swap3A_380] {strides = array<i32>} : memref<64x128xf32, #tpu.memory_space<vmem>>, vector<1x16xf32>,
        %swap3A_382 = vector.shape_cast %swap3A_381 : vector<1x16xf32> to vector<16xf32>
        %swap3A_383 = vector.shape_cast %add3A_378 : vector<16xf32> to vector<1x16xf32>
        tpu.vector_store %arg8[%swap3A_379, %swap3A_380], %swap3A_383 {strides = array<i32>} : memref<64x128xf32, #tpu.memory_space<vmem>>, vector<1x16xf32>,
        scf.yield %add3A_308, %add3A_318, %add3A_328, %add3A_338, %add3A_348, %add3A_358, %add3A_368, %add3A_378 : vector<16xf32>, vector<16xf32>, vector<16xf32>, vector<16xf32>, vector<16xf32>, vector<16xf32>, vector<16xf32>, vector<16xf32>
      }
      %scan3A_114 = arith.constant 32 : i32
      %mul3A_115 = arith.constant 64 : i32
      %mul3A_116 = arith.muli %add3A_65, %mul3A_115 : i32
      %dma_start3A_117 = tpu.memref_slice %arg3[%mul3A_116, %mul3A_2] : memref<8192x4096xf32, #tpu.memory_space<hbm>> -> memref<64x128xf32, #tpu.memory_space<hbm>>
      %dma_start3A_118 = tpu.memref_slice %arg3[%mul3A_116, %mul3A_2] : memref<8192x4096xf32, #tpu.memory_space<hbm>> -> memref<64x128xf32, #tpu.memory_space<hbm>>
      tpu.enqueue_dma source(%arg8 : memref<64x128xf32, #tpu.memory_space<vmem>>) target(%dma_start3A_118 : memref<64x128xf32, #tpu.memory_space<hbm>>) target_semaphore(%arg16 : memref<!tpu.dma_semaphore, #tpu.memory_space<semaphore_mem>>)
      %add3A_119 = arith.constant 4 : i32
      %add3A_120 = arith.addi %add3A_65, %add3A_119 : i32
      %lt3A = arith.constant 128 : i32
      %lt3A_121 = arith.cmpi slt, %add3A_120, %lt3A : i32
      %convert_element_type3A_122 = arith.extui %lt3A_121 : i1 to i32
      %cond3A_123 = arith.constant 0 : i32
      %cond3A_124 = arith.cmpi ne, %convert_element_type3A_122, %cond3A_123 : i32
      scf.if %cond3A_124 {
        %add3A_209 = arith.constant 4 : i32
        %add3A_210 = arith.addi %add3A_65, %add3A_209 : i32
        %mul3A_211 = arith.constant 64 : i32
        %mul3A_212 = arith.muli %add3A_210, %mul3A_211 : i32
        %dma_start3A_213 = tpu.memref_slice %arg2[%mul3A_212, %mul3A_2] : memref<8192x4096xf32, #tpu.memory_space<hbm>> -> memref<64x128xf32, #tpu.memory_space<hbm>>
        %dma_start3A_214 = tpu.memref_slice %arg2[%mul3A_212, %mul3A_2] : memref<8192x4096xf32, #tpu.memory_space<hbm>> -> memref<64x128xf32, #tpu.memory_space<hbm>>
        tpu.enqueue_dma source(%dma_start3A_214 : memref<64x128xf32, #tpu.memory_space<hbm>>) target(%arg4 : memref<64x128xf32, #tpu.memory_space<vmem>>) target_semaphore(%arg12 : memref<!tpu.dma_semaphore, #tpu.memory_space<semaphore_mem>>)
      } else {
      }
      %add3A_125 = arith.constant 1 : i32
      %add3A_126 = arith.addi %mul3A_63, %add3A_125 : i32
      %mul3A_127 = arith.constant 64 : i32
      %mul3A_128 = arith.muli %add3A_126, %mul3A_127 : i32
      %dma_wait3A_129 = tpu.memref_slice %arg2[%mul3A_128, %mul3A_2] : memref<8192x4096xf32, #tpu.memory_space<hbm>> -> memref<64x128xf32, #tpu.memory_space<hbm>>
      %dma_wait3A_130 = tpu.memref_slice %arg2[%mul3A_128, %mul3A_2] : memref<8192x4096xf32, #tpu.memory_space<hbm>> -> memref<64x128xf32, #tpu.memory_space<hbm>>
      tpu.wait_dma2 semaphore(%arg13 : memref<!tpu.dma_semaphore, #tpu.memory_space<semaphore_mem>>) src(%dma_wait3A_130 : memref<64x128xf32, #tpu.memory_space<hbm>>) dst(%arg5 : memref<64x128xf32, #tpu.memory_space<vmem>>)
      %gt3A_131 = arith.constant 0 : i32
      %gt3A_132 = arith.cmpi sgt, %scan3A_53, %gt3A_131 : i32
      %convert_element_type3A_133 = arith.extui %gt3A_132 : i1 to i32
      %cond3A_134 = arith.constant 0 : i32
      %cond3A_135 = arith.cmpi ne, %convert_element_type3A_133, %cond3A_134 : i32
      scf.if %cond3A_135 {
        %sub3A = arith.constant 4 : i32
        %sub3A_209 = arith.subi %add3A_126, %sub3A : i32
        %mul3A_210 = arith.constant 64 : i32
        %mul3A_211 = arith.muli %sub3A_209, %mul3A_210 : i32
        %dma_wait3A_212 = tpu.memref_slice %arg3[%mul3A_211, %mul3A_2] : memref<8192x4096xf32, #tpu.memory_space<hbm>> -> memref<64x128xf32, #tpu.memory_space<hbm>>
        %dma_wait3A_213 = tpu.memref_slice %arg3[%mul3A_211, %mul3A_2] : memref<8192x4096xf32, #tpu.memory_space<hbm>> -> memref<64x128xf32, #tpu.memory_space<hbm>>
        tpu.wait_dma2 semaphore(%arg17 : memref<!tpu.dma_semaphore, #tpu.memory_space<semaphore_mem>>) src(%arg9 : memref<64x128xf32, #tpu.memory_space<vmem>>) dst(%dma_wait3A_213 : memref<64x128xf32, #tpu.memory_space<hbm>>)
      } else {
      }
      %scan3A_136 = arith.constant 0 : i32
      %scan3A_137 = arith.constant 32 : i32
      %scan3A_138 = arith.addi %scan3A_136, %scan3A_137 : i32
      %scan3A_139 = arith.constant 1 : i32
      %scan3A_140:8 = scf.for %scan3A_209 = %scan3A_136 to %scan3A_138 step %scan3A_139 iter_args(%scan3A_210 = %scan3A_113#0, %scan3A_211 = %scan3A_113#1, %scan3A_212 = %scan3A_113#2, %scan3A_213 = %scan3A_113#3, %scan3A_214 = %scan3A_113#4, %scan3A_215 = %scan3A_113#5, %scan3A_216 = %scan3A_113#6, %scan3A_217 = %scan3A_113#7) -> (vector<16xf32>, vector<16xf32>, vector<16xf32>, vector<16xf32>, vector<16xf32>, vector<16xf32>, vector<16xf32>, vector<16xf32>)  : i32 {
        %mul3A_218 = arith.constant 2 : i32
        %mul3A_219 = arith.muli %scan3A_209, %mul3A_218 : i32
        %add3A_220 = arith.constant 0 : i32
        %add3A_221 = arith.addi %mul3A_219, %add3A_220 : i32
        %get3A = arith.index_cast %add3A_221 : i32 to index
        %get3A_222 = arith.constant 0 : index
        %get3A_223 = tpu.vector_load %arg5[%get3A, %get3A_222] {strides = array<i32>} : memref<64x128xf32, #tpu.memory_space<vmem>>, vector<1x16xf32>,
        %get3A_224 = vector.shape_cast %get3A_223 : vector<1x16xf32> to vector<16xf32>
        %add3A_225 = arith.addf %scan3A_210, %get3A_224 : vector<16xf32>
        %swap3A = arith.index_cast %add3A_221 : i32 to index
        %swap3A_226 = arith.constant 0 : index
        %swap3A_227 = tpu.vector_load %arg9[%swap3A, %swap3A_226] {strides = array<i32>} : memref<64x128xf32, #tpu.memory_space<vmem>>, vector<1x16xf32>,
        %swap3A_228 = vector.shape_cast %swap3A_227 : vector<1x16xf32> to vector<16xf32>
        %swap3A_229 = vector.shape_cast %add3A_225 : vector<16xf32> to vector<1x16xf32>
        tpu.vector_store %arg9[%swap3A, %swap3A_226], %swap3A_229 {strides = array<i32>} : memref<64x128xf32, #tpu.memory_space<vmem>>, vector<1x16xf32>,
        %get3A_230 = arith.index_cast %add3A_221 : i32 to index
        %get3A_231 = arith.constant 16 : index
        %get3A_232 = tpu.vector_load %arg5[%get3A_230, %get3A_231] {strides = array<i32>} : memref<64x128xf32, #tpu.memory_space<vmem>>, vector<1x16xf32>,
        %get3A_233 = vector.shape_cast %get3A_232 : vector<1x16xf32> to vector<16xf32>
        %add3A_234 = arith.addf %scan3A_211, %get3A_233 : vector<16xf32>
        %swap3A_235 = arith.index_cast %add3A_221 : i32 to index
        %swap3A_236 = arith.constant 16 : index
        %swap3A_237 = tpu.vector_load %arg9[%swap3A_235, %swap3A_236] {strides = array<i32>} : memref<64x128xf32, #tpu.memory_space<vmem>>, vector<1x16xf32>,
        %swap3A_238 = vector.shape_cast %swap3A_237 : vector<1x16xf32> to vector<16xf32>
        %swap3A_239 = vector.shape_cast %add3A_234 : vector<16xf32> to vector<1x16xf32>
        tpu.vector_store %arg9[%swap3A_235, %swap3A_236], %swap3A_239 {strides = array<i32>} : memref<64x128xf32, #tpu.memory_space<vmem>>, vector<1x16xf32>,
        %get3A_240 = arith.index_cast %add3A_221 : i32 to index
        %get3A_241 = arith.constant 32 : index
        %get3A_242 = tpu.vector_load %arg5[%get3A_240, %get3A_241] {strides = array<i32>} : memref<64x128xf32, #tpu.memory_space<vmem>>, vector<1x16xf32>,
        %get3A_243 = vector.shape_cast %get3A_242 : vector<1x16xf32> to vector<16xf32>
        %add3A_244 = arith.addf %scan3A_212, %get3A_243 : vector<16xf32>
        %swap3A_245 = arith.index_cast %add3A_221 : i32 to index
        %swap3A_246 = arith.constant 32 : index
        %swap3A_247 = tpu.vector_load %arg9[%swap3A_245, %swap3A_246] {strides = array<i32>} : memref<64x128xf32, #tpu.memory_space<vmem>>, vector<1x16xf32>,
        %swap3A_248 = vector.shape_cast %swap3A_247 : vector<1x16xf32> to vector<16xf32>
        %swap3A_249 = vector.shape_cast %add3A_244 : vector<16xf32> to vector<1x16xf32>
        tpu.vector_store %arg9[%swap3A_245, %swap3A_246], %swap3A_249 {strides = array<i32>} : memref<64x128xf32, #tpu.memory_space<vmem>>, vector<1x16xf32>,
        %get3A_250 = arith.index_cast %add3A_221 : i32 to index
        %get3A_251 = arith.constant 48 : index
        %get3A_252 = tpu.vector_load %arg5[%get3A_250, %get3A_251] {strides = array<i32>} : memref<64x128xf32, #tpu.memory_space<vmem>>, vector<1x16xf32>,
        %get3A_253 = vector.shape_cast %get3A_252 : vector<1x16xf32> to vector<16xf32>
        %add3A_254 = arith.addf %scan3A_213, %get3A_253 : vector<16xf32>
        %swap3A_255 = arith.index_cast %add3A_221 : i32 to index
        %swap3A_256 = arith.constant 48 : index
        %swap3A_257 = tpu.vector_load %arg9[%swap3A_255, %swap3A_256] {strides = array<i32>} : memref<64x128xf32, #tpu.memory_space<vmem>>, vector<1x16xf32>,
        %swap3A_258 = vector.shape_cast %swap3A_257 : vector<1x16xf32> to vector<16xf32>
        %swap3A_259 = vector.shape_cast %add3A_254 : vector<16xf32> to vector<1x16xf32>
        tpu.vector_store %arg9[%swap3A_255, %swap3A_256], %swap3A_259 {strides = array<i32>} : memref<64x128xf32, #tpu.memory_space<vmem>>, vector<1x16xf32>,
        %get3A_260 = arith.index_cast %add3A_221 : i32 to index
        %get3A_261 = arith.constant 64 : index
        %get3A_262 = tpu.vector_load %arg5[%get3A_260, %get3A_261] {strides = array<i32>} : memref<64x128xf32, #tpu.memory_space<vmem>>, vector<1x16xf32>,
        %get3A_263 = vector.shape_cast %get3A_262 : vector<1x16xf32> to vector<16xf32>
        %add3A_264 = arith.addf %scan3A_214, %get3A_263 : vector<16xf32>
        %swap3A_265 = arith.index_cast %add3A_221 : i32 to index
        %swap3A_266 = arith.constant 64 : index
        %swap3A_267 = tpu.vector_load %arg9[%swap3A_265, %swap3A_266] {strides = array<i32>} : memref<64x128xf32, #tpu.memory_space<vmem>>, vector<1x16xf32>,
        %swap3A_268 = vector.shape_cast %swap3A_267 : vector<1x16xf32> to vector<16xf32>
        %swap3A_269 = vector.shape_cast %add3A_264 : vector<16xf32> to vector<1x16xf32>
        tpu.vector_store %arg9[%swap3A_265, %swap3A_266], %swap3A_269 {strides = array<i32>} : memref<64x128xf32, #tpu.memory_space<vmem>>, vector<1x16xf32>,
        %get3A_270 = arith.index_cast %add3A_221 : i32 to index
        %get3A_271 = arith.constant 80 : index
        %get3A_272 = tpu.vector_load %arg5[%get3A_270, %get3A_271] {strides = array<i32>} : memref<64x128xf32, #tpu.memory_space<vmem>>, vector<1x16xf32>,
        %get3A_273 = vector.shape_cast %get3A_272 : vector<1x16xf32> to vector<16xf32>
        %add3A_274 = arith.addf %scan3A_215, %get3A_273 : vector<16xf32>
        %swap3A_275 = arith.index_cast %add3A_221 : i32 to index
        %swap3A_276 = arith.constant 80 : index
        %swap3A_277 = tpu.vector_load %arg9[%swap3A_275, %swap3A_276] {strides = array<i32>} : memref<64x128xf32, #tpu.memory_space<vmem>>, vector<1x16xf32>,
        %swap3A_278 = vector.shape_cast %swap3A_277 : vector<1x16xf32> to vector<16xf32>
        %swap3A_279 = vector.shape_cast %add3A_274 : vector<16xf32> to vector<1x16xf32>
        tpu.vector_store %arg9[%swap3A_275, %swap3A_276], %swap3A_279 {strides = array<i32>} : memref<64x128xf32, #tpu.memory_space<vmem>>, vector<1x16xf32>,
        %get3A_280 = arith.index_cast %add3A_221 : i32 to index
        %get3A_281 = arith.constant 96 : index
        %get3A_282 = tpu.vector_load %arg5[%get3A_280, %get3A_281] {strides = array<i32>} : memref<64x128xf32, #tpu.memory_space<vmem>>, vector<1x16xf32>,
        %get3A_283 = vector.shape_cast %get3A_282 : vector<1x16xf32> to vector<16xf32>
        %add3A_284 = arith.addf %scan3A_216, %get3A_283 : vector<16xf32>
        %swap3A_285 = arith.index_cast %add3A_221 : i32 to index
        %swap3A_286 = arith.constant 96 : index
        %swap3A_287 = tpu.vector_load %arg9[%swap3A_285, %swap3A_286] {strides = array<i32>} : memref<64x128xf32, #tpu.memory_space<vmem>>, vector<1x16xf32>,
        %swap3A_288 = vector.shape_cast %swap3A_287 : vector<1x16xf32> to vector<16xf32>
        %swap3A_289 = vector.shape_cast %add3A_284 : vector<16xf32> to vector<1x16xf32>
        tpu.vector_store %arg9[%swap3A_285, %swap3A_286], %swap3A_289 {strides = array<i32>} : memref<64x128xf32, #tpu.memory_space<vmem>>, vector<1x16xf32>,
        %get3A_290 = arith.index_cast %add3A_221 : i32 to index
        %get3A_291 = arith.constant 112 : index
        %get3A_292 = tpu.vector_load %arg5[%get3A_290, %get3A_291] {strides = array<i32>} : memref<64x128xf32, #tpu.memory_space<vmem>>, vector<1x16xf32>,
        %get3A_293 = vector.shape_cast %get3A_292 : vector<1x16xf32> to vector<16xf32>
        %add3A_294 = arith.addf %scan3A_217, %get3A_293 : vector<16xf32>
        %swap3A_295 = arith.index_cast %add3A_221 : i32 to index
        %swap3A_296 = arith.constant 112 : index
        %swap3A_297 = tpu.vector_load %arg9[%swap3A_295, %swap3A_296] {strides = array<i32>} : memref<64x128xf32, #tpu.memory_space<vmem>>, vector<1x16xf32>,
        %swap3A_298 = vector.shape_cast %swap3A_297 : vector<1x16xf32> to vector<16xf32>
        %swap3A_299 = vector.shape_cast %add3A_294 : vector<16xf32> to vector<1x16xf32>
        tpu.vector_store %arg9[%swap3A_295, %swap3A_296], %swap3A_299 {strides = array<i32>} : memref<64x128xf32, #tpu.memory_space<vmem>>, vector<1x16xf32>,
        %mul3A_300 = arith.constant 2 : i32
        %mul3A_301 = arith.muli %scan3A_209, %mul3A_300 : i32
        %add3A_302 = arith.constant 1 : i32
        %add3A_303 = arith.addi %mul3A_301, %add3A_302 : i32
        %get3A_304 = arith.index_cast %add3A_303 : i32 to index
        %get3A_305 = arith.constant 0 : index
        %get3A_306 = tpu.vector_load %arg5[%get3A_304, %get3A_305] {strides = array<i32>} : memref<64x128xf32, #tpu.memory_space<vmem>>, vector<1x16xf32>,
        %get3A_307 = vector.shape_cast %get3A_306 : vector<1x16xf32> to vector<16xf32>
        %add3A_308 = arith.addf %add3A_225, %get3A_307 : vector<16xf32>
        %swap3A_309 = arith.index_cast %add3A_303 : i32 to index
        %swap3A_310 = arith.constant 0 : index
        %swap3A_311 = tpu.vector_load %arg9[%swap3A_309, %swap3A_310] {strides = array<i32>} : memref<64x128xf32, #tpu.memory_space<vmem>>, vector<1x16xf32>,
        %swap3A_312 = vector.shape_cast %swap3A_311 : vector<1x16xf32> to vector<16xf32>
        %swap3A_313 = vector.shape_cast %add3A_308 : vector<16xf32> to vector<1x16xf32>
        tpu.vector_store %arg9[%swap3A_309, %swap3A_310], %swap3A_313 {strides = array<i32>} : memref<64x128xf32, #tpu.memory_space<vmem>>, vector<1x16xf32>,
        %get3A_314 = arith.index_cast %add3A_303 : i32 to index
        %get3A_315 = arith.constant 16 : index
        %get3A_316 = tpu.vector_load %arg5[%get3A_314, %get3A_315] {strides = array<i32>} : memref<64x128xf32, #tpu.memory_space<vmem>>, vector<1x16xf32>,
        %get3A_317 = vector.shape_cast %get3A_316 : vector<1x16xf32> to vector<16xf32>
        %add3A_318 = arith.addf %add3A_234, %get3A_317 : vector<16xf32>
        %swap3A_319 = arith.index_cast %add3A_303 : i32 to index
        %swap3A_320 = arith.constant 16 : index
        %swap3A_321 = tpu.vector_load %arg9[%swap3A_319, %swap3A_320] {strides = array<i32>} : memref<64x128xf32, #tpu.memory_space<vmem>>, vector<1x16xf32>,
        %swap3A_322 = vector.shape_cast %swap3A_321 : vector<1x16xf32> to vector<16xf32>
        %swap3A_323 = vector.shape_cast %add3A_318 : vector<16xf32> to vector<1x16xf32>
        tpu.vector_store %arg9[%swap3A_319, %swap3A_320], %swap3A_323 {strides = array<i32>} : memref<64x128xf32, #tpu.memory_space<vmem>>, vector<1x16xf32>,
        %get3A_324 = arith.index_cast %add3A_303 : i32 to index
        %get3A_325 = arith.constant 32 : index
        %get3A_326 = tpu.vector_load %arg5[%get3A_324, %get3A_325] {strides = array<i32>} : memref<64x128xf32, #tpu.memory_space<vmem>>, vector<1x16xf32>,
        %get3A_327 = vector.shape_cast %get3A_326 : vector<1x16xf32> to vector<16xf32>
        %add3A_328 = arith.addf %add3A_244, %get3A_327 : vector<16xf32>
        %swap3A_329 = arith.index_cast %add3A_303 : i32 to index
        %swap3A_330 = arith.constant 32 : index
        %swap3A_331 = tpu.vector_load %arg9[%swap3A_329, %swap3A_330] {strides = array<i32>} : memref<64x128xf32, #tpu.memory_space<vmem>>, vector<1x16xf32>,
        %swap3A_332 = vector.shape_cast %swap3A_331 : vector<1x16xf32> to vector<16xf32>
        %swap3A_333 = vector.shape_cast %add3A_328 : vector<16xf32> to vector<1x16xf32>
        tpu.vector_store %arg9[%swap3A_329, %swap3A_330], %swap3A_333 {strides = array<i32>} : memref<64x128xf32, #tpu.memory_space<vmem>>, vector<1x16xf32>,
        %get3A_334 = arith.index_cast %add3A_303 : i32 to index
        %get3A_335 = arith.constant 48 : index
        %get3A_336 = tpu.vector_load %arg5[%get3A_334, %get3A_335] {strides = array<i32>} : memref<64x128xf32, #tpu.memory_space<vmem>>, vector<1x16xf32>,
        %get3A_337 = vector.shape_cast %get3A_336 : vector<1x16xf32> to vector<16xf32>
        %add3A_338 = arith.addf %add3A_254, %get3A_337 : vector<16xf32>
        %swap3A_339 = arith.index_cast %add3A_303 : i32 to index
        %swap3A_340 = arith.constant 48 : index
        %swap3A_341 = tpu.vector_load %arg9[%swap3A_339, %swap3A_340] {strides = array<i32>} : memref<64x128xf32, #tpu.memory_space<vmem>>, vector<1x16xf32>,
        %swap3A_342 = vector.shape_cast %swap3A_341 : vector<1x16xf32> to vector<16xf32>
        %swap3A_343 = vector.shape_cast %add3A_338 : vector<16xf32> to vector<1x16xf32>
        tpu.vector_store %arg9[%swap3A_339, %swap3A_340], %swap3A_343 {strides = array<i32>} : memref<64x128xf32, #tpu.memory_space<vmem>>, vector<1x16xf32>,
        %get3A_344 = arith.index_cast %add3A_303 : i32 to index
        %get3A_345 = arith.constant 64 : index
        %get3A_346 = tpu.vector_load %arg5[%get3A_344, %get3A_345] {strides = array<i32>} : memref<64x128xf32, #tpu.memory_space<vmem>>, vector<1x16xf32>,
        %get3A_347 = vector.shape_cast %get3A_346 : vector<1x16xf32> to vector<16xf32>
        %add3A_348 = arith.addf %add3A_264, %get3A_347 : vector<16xf32>
        %swap3A_349 = arith.index_cast %add3A_303 : i32 to index
        %swap3A_350 = arith.constant 64 : index
        %swap3A_351 = tpu.vector_load %arg9[%swap3A_349, %swap3A_350] {strides = array<i32>} : memref<64x128xf32, #tpu.memory_space<vmem>>, vector<1x16xf32>,
        %swap3A_352 = vector.shape_cast %swap3A_351 : vector<1x16xf32> to vector<16xf32>
        %swap3A_353 = vector.shape_cast %add3A_348 : vector<16xf32> to vector<1x16xf32>
        tpu.vector_store %arg9[%swap3A_349, %swap3A_350], %swap3A_353 {strides = array<i32>} : memref<64x128xf32, #tpu.memory_space<vmem>>, vector<1x16xf32>,
        %get3A_354 = arith.index_cast %add3A_303 : i32 to index
        %get3A_355 = arith.constant 80 : index
        %get3A_356 = tpu.vector_load %arg5[%get3A_354, %get3A_355] {strides = array<i32>} : memref<64x128xf32, #tpu.memory_space<vmem>>, vector<1x16xf32>,
        %get3A_357 = vector.shape_cast %get3A_356 : vector<1x16xf32> to vector<16xf32>
        %add3A_358 = arith.addf %add3A_274, %get3A_357 : vector<16xf32>
        %swap3A_359 = arith.index_cast %add3A_303 : i32 to index
        %swap3A_360 = arith.constant 80 : index
        %swap3A_361 = tpu.vector_load %arg9[%swap3A_359, %swap3A_360] {strides = array<i32>} : memref<64x128xf32, #tpu.memory_space<vmem>>, vector<1x16xf32>,
        %swap3A_362 = vector.shape_cast %swap3A_361 : vector<1x16xf32> to vector<16xf32>
        %swap3A_363 = vector.shape_cast %add3A_358 : vector<16xf32> to vector<1x16xf32>
        tpu.vector_store %arg9[%swap3A_359, %swap3A_360], %swap3A_363 {strides = array<i32>} : memref<64x128xf32, #tpu.memory_space<vmem>>, vector<1x16xf32>,
        %get3A_364 = arith.index_cast %add3A_303 : i32 to index
        %get3A_365 = arith.constant 96 : index
        %get3A_366 = tpu.vector_load %arg5[%get3A_364, %get3A_365] {strides = array<i32>} : memref<64x128xf32, #tpu.memory_space<vmem>>, vector<1x16xf32>,
        %get3A_367 = vector.shape_cast %get3A_366 : vector<1x16xf32> to vector<16xf32>
        %add3A_368 = arith.addf %add3A_284, %get3A_367 : vector<16xf32>
        %swap3A_369 = arith.index_cast %add3A_303 : i32 to index
        %swap3A_370 = arith.constant 96 : index
        %swap3A_371 = tpu.vector_load %arg9[%swap3A_369, %swap3A_370] {strides = array<i32>} : memref<64x128xf32, #tpu.memory_space<vmem>>, vector<1x16xf32>,
        %swap3A_372 = vector.shape_cast %swap3A_371 : vector<1x16xf32> to vector<16xf32>
        %swap3A_373 = vector.shape_cast %add3A_368 : vector<16xf32> to vector<1x16xf32>
        tpu.vector_store %arg9[%swap3A_369, %swap3A_370], %swap3A_373 {strides = array<i32>} : memref<64x128xf32, #tpu.memory_space<vmem>>, vector<1x16xf32>,
        %get3A_374 = arith.index_cast %add3A_303 : i32 to index
        %get3A_375 = arith.constant 112 : index
        %get3A_376 = tpu.vector_load %arg5[%get3A_374, %get3A_375] {strides = array<i32>} : memref<64x128xf32, #tpu.memory_space<vmem>>, vector<1x16xf32>,
        %get3A_377 = vector.shape_cast %get3A_376 : vector<1x16xf32> to vector<16xf32>
        %add3A_378 = arith.addf %add3A_294, %get3A_377 : vector<16xf32>
        %swap3A_379 = arith.index_cast %add3A_303 : i32 to index
        %swap3A_380 = arith.constant 112 : index
        %swap3A_381 = tpu.vector_load %arg9[%swap3A_379, %swap3A_380] {strides = array<i32>} : memref<64x128xf32, #tpu.memory_space<vmem>>, vector<1x16xf32>,
        %swap3A_382 = vector.shape_cast %swap3A_381 : vector<1x16xf32> to vector<16xf32>
        %swap3A_383 = vector.shape_cast %add3A_378 : vector<16xf32> to vector<1x16xf32>
        tpu.vector_store %arg9[%swap3A_379, %swap3A_380], %swap3A_383 {strides = array<i32>} : memref<64x128xf32, #tpu.memory_space<vmem>>, vector<1x16xf32>,
        scf.yield %add3A_308, %add3A_318, %add3A_328, %add3A_338, %add3A_348, %add3A_358, %add3A_368, %add3A_378 : vector<16xf32>, vector<16xf32>, vector<16xf32>, vector<16xf32>, vector<16xf32>, vector<16xf32>, vector<16xf32>, vector<16xf32>
      }
      %scan3A_141 = arith.constant 32 : i32
      %mul3A_142 = arith.constant 64 : i32
      %mul3A_143 = arith.muli %add3A_126, %mul3A_142 : i32
      %dma_start3A_144 = tpu.memref_slice %arg3[%mul3A_143, %mul3A_2] : memref<8192x4096xf32, #tpu.memory_space<hbm>> -> memref<64x128xf32, #tpu.memory_space<hbm>>
      %dma_start3A_145 = tpu.memref_slice %arg3[%mul3A_143, %mul3A_2] : memref<8192x4096xf32, #tpu.memory_space<hbm>> -> memref<64x128xf32, #tpu.memory_space<hbm>>
      tpu.enqueue_dma source(%arg9 : memref<64x128xf32, #tpu.memory_space<vmem>>) target(%dma_start3A_145 : memref<64x128xf32, #tpu.memory_space<hbm>>) target_semaphore(%arg17 : memref<!tpu.dma_semaphore, #tpu.memory_space<semaphore_mem>>)
      %add3A_146 = arith.constant 4 : i32
      %add3A_147 = arith.addi %add3A_126, %add3A_146 : i32
      %lt3A_148 = arith.constant 128 : i32
      %lt3A_149 = arith.cmpi slt, %add3A_147, %lt3A_148 : i32
      %convert_element_type3A_150 = arith.extui %lt3A_149 : i1 to i32
      %cond3A_151 = arith.constant 0 : i32
      %cond3A_152 = arith.cmpi ne, %convert_element_type3A_150, %cond3A_151 : i32
      scf.if %cond3A_152 {
        %add3A_209 = arith.constant 4 : i32
        %add3A_210 = arith.addi %add3A_126, %add3A_209 : i32
        %mul3A_211 = arith.constant 64 : i32
        %mul3A_212 = arith.muli %add3A_210, %mul3A_211 : i32
        %dma_start3A_213 = tpu.memref_slice %arg2[%mul3A_212, %mul3A_2] : memref<8192x4096xf32, #tpu.memory_space<hbm>> -> memref<64x128xf32, #tpu.memory_space<hbm>>
        %dma_start3A_214 = tpu.memref_slice %arg2[%mul3A_212, %mul3A_2] : memref<8192x4096xf32, #tpu.memory_space<hbm>> -> memref<64x128xf32, #tpu.memory_space<hbm>>
        tpu.enqueue_dma source(%dma_start3A_214 : memref<64x128xf32, #tpu.memory_space<hbm>>) target(%arg5 : memref<64x128xf32, #tpu.memory_space<vmem>>) target_semaphore(%arg13 : memref<!tpu.dma_semaphore, #tpu.memory_space<semaphore_mem>>)
      } else {
      }
      %add3A_153 = arith.constant 2 : i32
      %add3A_154 = arith.addi %mul3A_63, %add3A_153 : i32
      %mul3A_155 = arith.constant 64 : i32
      %mul3A_156 = arith.muli %add3A_154, %mul3A_155 : i32
      %dma_wait3A_157 = tpu.memref_slice %arg2[%mul3A_156, %mul3A_2] : memref<8192x4096xf32, #tpu.memory_space<hbm>> -> memref<64x128xf32, #tpu.memory_space<hbm>>
      %dma_wait3A_158 = tpu.memref_slice %arg2[%mul3A_156, %mul3A_2] : memref<8192x4096xf32, #tpu.memory_space<hbm>> -> memref<64x128xf32, #tpu.memory_space<hbm>>
      tpu.wait_dma2 semaphore(%arg14 : memref<!tpu.dma_semaphore, #tpu.memory_space<semaphore_mem>>) src(%dma_wait3A_158 : memref<64x128xf32, #tpu.memory_space<hbm>>) dst(%arg6 : memref<64x128xf32, #tpu.memory_space<vmem>>)
      %gt3A_159 = arith.constant 0 : i32
      %gt3A_160 = arith.cmpi sgt, %scan3A_53, %gt3A_159 : i32
      %convert_element_type3A_161 = arith.extui %gt3A_160 : i1 to i32
      %cond3A_162 = arith.constant 0 : i32
      %cond3A_163 = arith.cmpi ne, %convert_element_type3A_161, %cond3A_162 : i32
      scf.if %cond3A_163 {
        %sub3A = arith.constant 4 : i32
        %sub3A_209 = arith.subi %add3A_154, %sub3A : i32
        %mul3A_210 = arith.constant 64 : i32
        %mul3A_211 = arith.muli %sub3A_209, %mul3A_210 : i32
        %dma_wait3A_212 = tpu.memref_slice %arg3[%mul3A_211, %mul3A_2] : memref<8192x4096xf32, #tpu.memory_space<hbm>> -> memref<64x128xf32, #tpu.memory_space<hbm>>
        %dma_wait3A_213 = tpu.memref_slice %arg3[%mul3A_211, %mul3A_2] : memref<8192x4096xf32, #tpu.memory_space<hbm>> -> memref<64x128xf32, #tpu.memory_space<hbm>>
        tpu.wait_dma2 semaphore(%arg18 : memref<!tpu.dma_semaphore, #tpu.memory_space<semaphore_mem>>) src(%arg10 : memref<64x128xf32, #tpu.memory_space<vmem>>) dst(%dma_wait3A_213 : memref<64x128xf32, #tpu.memory_space<hbm>>)
      } else {
      }
      %scan3A_164 = arith.constant 0 : i32
      %scan3A_165 = arith.constant 32 : i32
      %scan3A_166 = arith.addi %scan3A_164, %scan3A_165 : i32
      %scan3A_167 = arith.constant 1 : i32
      %scan3A_168:8 = scf.for %scan3A_209 = %scan3A_164 to %scan3A_166 step %scan3A_167 iter_args(%scan3A_210 = %scan3A_140#0, %scan3A_211 = %scan3A_140#1, %scan3A_212 = %scan3A_140#2, %scan3A_213 = %scan3A_140#3, %scan3A_214 = %scan3A_140#4, %scan3A_215 = %scan3A_140#5, %scan3A_216 = %scan3A_140#6, %scan3A_217 = %scan3A_140#7) -> (vector<16xf32>, vector<16xf32>, vector<16xf32>, vector<16xf32>, vector<16xf32>, vector<16xf32>, vector<16xf32>, vector<16xf32>)  : i32 {
        %mul3A_218 = arith.constant 2 : i32
        %mul3A_219 = arith.muli %scan3A_209, %mul3A_218 : i32
        %add3A_220 = arith.constant 0 : i32
        %add3A_221 = arith.addi %mul3A_219, %add3A_220 : i32
        %get3A = arith.index_cast %add3A_221 : i32 to index
        %get3A_222 = arith.constant 0 : index
        %get3A_223 = tpu.vector_load %arg6[%get3A, %get3A_222] {strides = array<i32>} : memref<64x128xf32, #tpu.memory_space<vmem>>, vector<1x16xf32>,
        %get3A_224 = vector.shape_cast %get3A_223 : vector<1x16xf32> to vector<16xf32>
        %add3A_225 = arith.addf %scan3A_210, %get3A_224 : vector<16xf32>
        %swap3A = arith.index_cast %add3A_221 : i32 to index
        %swap3A_226 = arith.constant 0 : index
        %swap3A_227 = tpu.vector_load %arg10[%swap3A, %swap3A_226] {strides = array<i32>} : memref<64x128xf32, #tpu.memory_space<vmem>>, vector<1x16xf32>,
        %swap3A_228 = vector.shape_cast %swap3A_227 : vector<1x16xf32> to vector<16xf32>
        %swap3A_229 = vector.shape_cast %add3A_225 : vector<16xf32> to vector<1x16xf32>
        tpu.vector_store %arg10[%swap3A, %swap3A_226], %swap3A_229 {strides = array<i32>} : memref<64x128xf32, #tpu.memory_space<vmem>>, vector<1x16xf32>,
        %get3A_230 = arith.index_cast %add3A_221 : i32 to index
        %get3A_231 = arith.constant 16 : index
        %get3A_232 = tpu.vector_load %arg6[%get3A_230, %get3A_231] {strides = array<i32>} : memref<64x128xf32, #tpu.memory_space<vmem>>, vector<1x16xf32>,
        %get3A_233 = vector.shape_cast %get3A_232 : vector<1x16xf32> to vector<16xf32>
        %add3A_234 = arith.addf %scan3A_211, %get3A_233 : vector<16xf32>
        %swap3A_235 = arith.index_cast %add3A_221 : i32 to index
        %swap3A_236 = arith.constant 16 : index
        %swap3A_237 = tpu.vector_load %arg10[%swap3A_235, %swap3A_236] {strides = array<i32>} : memref<64x128xf32, #tpu.memory_space<vmem>>, vector<1x16xf32>,
        %swap3A_238 = vector.shape_cast %swap3A_237 : vector<1x16xf32> to vector<16xf32>
        %swap3A_239 = vector.shape_cast %add3A_234 : vector<16xf32> to vector<1x16xf32>
        tpu.vector_store %arg10[%swap3A_235, %swap3A_236], %swap3A_239 {strides = array<i32>} : memref<64x128xf32, #tpu.memory_space<vmem>>, vector<1x16xf32>,
        %get3A_240 = arith.index_cast %add3A_221 : i32 to index
        %get3A_241 = arith.constant 32 : index
        %get3A_242 = tpu.vector_load %arg6[%get3A_240, %get3A_241] {strides = array<i32>} : memref<64x128xf32, #tpu.memory_space<vmem>>, vector<1x16xf32>,
        %get3A_243 = vector.shape_cast %get3A_242 : vector<1x16xf32> to vector<16xf32>
        %add3A_244 = arith.addf %scan3A_212, %get3A_243 : vector<16xf32>
        %swap3A_245 = arith.index_cast %add3A_221 : i32 to index
        %swap3A_246 = arith.constant 32 : index
        %swap3A_247 = tpu.vector_load %arg10[%swap3A_245, %swap3A_246] {strides = array<i32>} : memref<64x128xf32, #tpu.memory_space<vmem>>, vector<1x16xf32>,
        %swap3A_248 = vector.shape_cast %swap3A_247 : vector<1x16xf32> to vector<16xf32>
        %swap3A_249 = vector.shape_cast %add3A_244 : vector<16xf32> to vector<1x16xf32>
        tpu.vector_store %arg10[%swap3A_245, %swap3A_246], %swap3A_249 {strides = array<i32>} : memref<64x128xf32, #tpu.memory_space<vmem>>, vector<1x16xf32>,
        %get3A_250 = arith.index_cast %add3A_221 : i32 to index
        %get3A_251 = arith.constant 48 : index
        %get3A_252 = tpu.vector_load %arg6[%get3A_250, %get3A_251] {strides = array<i32>} : memref<64x128xf32, #tpu.memory_space<vmem>>, vector<1x16xf32>,
        %get3A_253 = vector.shape_cast %get3A_252 : vector<1x16xf32> to vector<16xf32>
        %add3A_254 = arith.addf %scan3A_213, %get3A_253 : vector<16xf32>
        %swap3A_255 = arith.index_cast %add3A_221 : i32 to index
        %swap3A_256 = arith.constant 48 : index
        %swap3A_257 = tpu.vector_load %arg10[%swap3A_255, %swap3A_256] {strides = array<i32>} : memref<64x128xf32, #tpu.memory_space<vmem>>, vector<1x16xf32>,
        %swap3A_258 = vector.shape_cast %swap3A_257 : vector<1x16xf32> to vector<16xf32>
        %swap3A_259 = vector.shape_cast %add3A_254 : vector<16xf32> to vector<1x16xf32>
        tpu.vector_store %arg10[%swap3A_255, %swap3A_256], %swap3A_259 {strides = array<i32>} : memref<64x128xf32, #tpu.memory_space<vmem>>, vector<1x16xf32>,
        %get3A_260 = arith.index_cast %add3A_221 : i32 to index
        %get3A_261 = arith.constant 64 : index
        %get3A_262 = tpu.vector_load %arg6[%get3A_260, %get3A_261] {strides = array<i32>} : memref<64x128xf32, #tpu.memory_space<vmem>>, vector<1x16xf32>,
        %get3A_263 = vector.shape_cast %get3A_262 : vector<1x16xf32> to vector<16xf32>
        %add3A_264 = arith.addf %scan3A_214, %get3A_263 : vector<16xf32>
        %swap3A_265 = arith.index_cast %add3A_221 : i32 to index
        %swap3A_266 = arith.constant 64 : index
        %swap3A_267 = tpu.vector_load %arg10[%swap3A_265, %swap3A_266] {strides = array<i32>} : memref<64x128xf32, #tpu.memory_space<vmem>>, vector<1x16xf32>,
        %swap3A_268 = vector.shape_cast %swap3A_267 : vector<1x16xf32> to vector<16xf32>
        %swap3A_269 = vector.shape_cast %add3A_264 : vector<16xf32> to vector<1x16xf32>
        tpu.vector_store %arg10[%swap3A_265, %swap3A_266], %swap3A_269 {strides = array<i32>} : memref<64x128xf32, #tpu.memory_space<vmem>>, vector<1x16xf32>,
        %get3A_270 = arith.index_cast %add3A_221 : i32 to index
        %get3A_271 = arith.constant 80 : index
        %get3A_272 = tpu.vector_load %arg6[%get3A_270, %get3A_271] {strides = array<i32>} : memref<64x128xf32, #tpu.memory_space<vmem>>, vector<1x16xf32>,
        %get3A_273 = vector.shape_cast %get3A_272 : vector<1x16xf32> to vector<16xf32>
        %add3A_274 = arith.addf %scan3A_215, %get3A_273 : vector<16xf32>
        %swap3A_275 = arith.index_cast %add3A_221 : i32 to index
        %swap3A_276 = arith.constant 80 : index
        %swap3A_277 = tpu.vector_load %arg10[%swap3A_275, %swap3A_276] {strides = array<i32>} : memref<64x128xf32, #tpu.memory_space<vmem>>, vector<1x16xf32>,
        %swap3A_278 = vector.shape_cast %swap3A_277 : vector<1x16xf32> to vector<16xf32>
        %swap3A_279 = vector.shape_cast %add3A_274 : vector<16xf32> to vector<1x16xf32>
        tpu.vector_store %arg10[%swap3A_275, %swap3A_276], %swap3A_279 {strides = array<i32>} : memref<64x128xf32, #tpu.memory_space<vmem>>, vector<1x16xf32>,
        %get3A_280 = arith.index_cast %add3A_221 : i32 to index
        %get3A_281 = arith.constant 96 : index
        %get3A_282 = tpu.vector_load %arg6[%get3A_280, %get3A_281] {strides = array<i32>} : memref<64x128xf32, #tpu.memory_space<vmem>>, vector<1x16xf32>,
        %get3A_283 = vector.shape_cast %get3A_282 : vector<1x16xf32> to vector<16xf32>
        %add3A_284 = arith.addf %scan3A_216, %get3A_283 : vector<16xf32>
        %swap3A_285 = arith.index_cast %add3A_221 : i32 to index
        %swap3A_286 = arith.constant 96 : index
        %swap3A_287 = tpu.vector_load %arg10[%swap3A_285, %swap3A_286] {strides = array<i32>} : memref<64x128xf32, #tpu.memory_space<vmem>>, vector<1x16xf32>,
        %swap3A_288 = vector.shape_cast %swap3A_287 : vector<1x16xf32> to vector<16xf32>
        %swap3A_289 = vector.shape_cast %add3A_284 : vector<16xf32> to vector<1x16xf32>
        tpu.vector_store %arg10[%swap3A_285, %swap3A_286], %swap3A_289 {strides = array<i32>} : memref<64x128xf32, #tpu.memory_space<vmem>>, vector<1x16xf32>,
        %get3A_290 = arith.index_cast %add3A_221 : i32 to index
        %get3A_291 = arith.constant 112 : index
        %get3A_292 = tpu.vector_load %arg6[%get3A_290, %get3A_291] {strides = array<i32>} : memref<64x128xf32, #tpu.memory_space<vmem>>, vector<1x16xf32>,
        %get3A_293 = vector.shape_cast %get3A_292 : vector<1x16xf32> to vector<16xf32>
        %add3A_294 = arith.addf %scan3A_217, %get3A_293 : vector<16xf32>
        %swap3A_295 = arith.index_cast %add3A_221 : i32 to index
        %swap3A_296 = arith.constant 112 : index
        %swap3A_297 = tpu.vector_load %arg10[%swap3A_295, %swap3A_296] {strides = array<i32>} : memref<64x128xf32, #tpu.memory_space<vmem>>, vector<1x16xf32>,
        %swap3A_298 = vector.shape_cast %swap3A_297 : vector<1x16xf32> to vector<16xf32>
        %swap3A_299 = vector.shape_cast %add3A_294 : vector<16xf32> to vector<1x16xf32>
        tpu.vector_store %arg10[%swap3A_295, %swap3A_296], %swap3A_299 {strides = array<i32>} : memref<64x128xf32, #tpu.memory_space<vmem>>, vector<1x16xf32>,
        %mul3A_300 = arith.constant 2 : i32
        %mul3A_301 = arith.muli %scan3A_209, %mul3A_300 : i32
        %add3A_302 = arith.constant 1 : i32
        %add3A_303 = arith.addi %mul3A_301, %add3A_302 : i32
        %get3A_304 = arith.index_cast %add3A_303 : i32 to index
        %get3A_305 = arith.constant 0 : index
        %get3A_306 = tpu.vector_load %arg6[%get3A_304, %get3A_305] {strides = array<i32>} : memref<64x128xf32, #tpu.memory_space<vmem>>, vector<1x16xf32>,
        %get3A_307 = vector.shape_cast %get3A_306 : vector<1x16xf32> to vector<16xf32>
        %add3A_308 = arith.addf %add3A_225, %get3A_307 : vector<16xf32>
        %swap3A_309 = arith.index_cast %add3A_303 : i32 to index
        %swap3A_310 = arith.constant 0 : index
        %swap3A_311 = tpu.vector_load %arg10[%swap3A_309, %swap3A_310] {strides = array<i32>} : memref<64x128xf32, #tpu.memory_space<vmem>>, vector<1x16xf32>,
        %swap3A_312 = vector.shape_cast %swap3A_311 : vector<1x16xf32> to vector<16xf32>
        %swap3A_313 = vector.shape_cast %add3A_308 : vector<16xf32> to vector<1x16xf32>
        tpu.vector_store %arg10[%swap3A_309, %swap3A_310], %swap3A_313 {strides = array<i32>} : memref<64x128xf32, #tpu.memory_space<vmem>>, vector<1x16xf32>,
        %get3A_314 = arith.index_cast %add3A_303 : i32 to index
        %get3A_315 = arith.constant 16 : index
        %get3A_316 = tpu.vector_load %arg6[%get3A_314, %get3A_315] {strides = array<i32>} : memref<64x128xf32, #tpu.memory_space<vmem>>, vector<1x16xf32>,
        %get3A_317 = vector.shape_cast %get3A_316 : vector<1x16xf32> to vector<16xf32>
        %add3A_318 = arith.addf %add3A_234, %get3A_317 : vector<16xf32>
        %swap3A_319 = arith.index_cast %add3A_303 : i32 to index
        %swap3A_320 = arith.constant 16 : index
        %swap3A_321 = tpu.vector_load %arg10[%swap3A_319, %swap3A_320] {strides = array<i32>} : memref<64x128xf32, #tpu.memory_space<vmem>>, vector<1x16xf32>,
        %swap3A_322 = vector.shape_cast %swap3A_321 : vector<1x16xf32> to vector<16xf32>
        %swap3A_323 = vector.shape_cast %add3A_318 : vector<16xf32> to vector<1x16xf32>
        tpu.vector_store %arg10[%swap3A_319, %swap3A_320], %swap3A_323 {strides = array<i32>} : memref<64x128xf32, #tpu.memory_space<vmem>>, vector<1x16xf32>,
        %get3A_324 = arith.index_cast %add3A_303 : i32 to index
        %get3A_325 = arith.constant 32 : index
        %get3A_326 = tpu.vector_load %arg6[%get3A_324, %get3A_325] {strides = array<i32>} : memref<64x128xf32, #tpu.memory_space<vmem>>, vector<1x16xf32>,
        %get3A_327 = vector.shape_cast %get3A_326 : vector<1x16xf32> to vector<16xf32>
        %add3A_328 = arith.addf %add3A_244, %get3A_327 : vector<16xf32>
        %swap3A_329 = arith.index_cast %add3A_303 : i32 to index
        %swap3A_330 = arith.constant 32 : index
        %swap3A_331 = tpu.vector_load %arg10[%swap3A_329, %swap3A_330] {strides = array<i32>} : memref<64x128xf32, #tpu.memory_space<vmem>>, vector<1x16xf32>,
        %swap3A_332 = vector.shape_cast %swap3A_331 : vector<1x16xf32> to vector<16xf32>
        %swap3A_333 = vector.shape_cast %add3A_328 : vector<16xf32> to vector<1x16xf32>
        tpu.vector_store %arg10[%swap3A_329, %swap3A_330], %swap3A_333 {strides = array<i32>} : memref<64x128xf32, #tpu.memory_space<vmem>>, vector<1x16xf32>,
        %get3A_334 = arith.index_cast %add3A_303 : i32 to index
        %get3A_335 = arith.constant 48 : index
        %get3A_336 = tpu.vector_load %arg6[%get3A_334, %get3A_335] {strides = array<i32>} : memref<64x128xf32, #tpu.memory_space<vmem>>, vector<1x16xf32>,
        %get3A_337 = vector.shape_cast %get3A_336 : vector<1x16xf32> to vector<16xf32>
        %add3A_338 = arith.addf %add3A_254, %get3A_337 : vector<16xf32>
        %swap3A_339 = arith.index_cast %add3A_303 : i32 to index
        %swap3A_340 = arith.constant 48 : index
        %swap3A_341 = tpu.vector_load %arg10[%swap3A_339, %swap3A_340] {strides = array<i32>} : memref<64x128xf32, #tpu.memory_space<vmem>>, vector<1x16xf32>,
        %swap3A_342 = vector.shape_cast %swap3A_341 : vector<1x16xf32> to vector<16xf32>
        %swap3A_343 = vector.shape_cast %add3A_338 : vector<16xf32> to vector<1x16xf32>
        tpu.vector_store %arg10[%swap3A_339, %swap3A_340], %swap3A_343 {strides = array<i32>} : memref<64x128xf32, #tpu.memory_space<vmem>>, vector<1x16xf32>,
        %get3A_344 = arith.index_cast %add3A_303 : i32 to index
        %get3A_345 = arith.constant 64 : index
        %get3A_346 = tpu.vector_load %arg6[%get3A_344, %get3A_345] {strides = array<i32>} : memref<64x128xf32, #tpu.memory_space<vmem>>, vector<1x16xf32>,
        %get3A_347 = vector.shape_cast %get3A_346 : vector<1x16xf32> to vector<16xf32>
        %add3A_348 = arith.addf %add3A_264, %get3A_347 : vector<16xf32>
        %swap3A_349 = arith.index_cast %add3A_303 : i32 to index
        %swap3A_350 = arith.constant 64 : index
        %swap3A_351 = tpu.vector_load %arg10[%swap3A_349, %swap3A_350] {strides = array<i32>} : memref<64x128xf32, #tpu.memory_space<vmem>>, vector<1x16xf32>,
        %swap3A_352 = vector.shape_cast %swap3A_351 : vector<1x16xf32> to vector<16xf32>
        %swap3A_353 = vector.shape_cast %add3A_348 : vector<16xf32> to vector<1x16xf32>
        tpu.vector_store %arg10[%swap3A_349, %swap3A_350], %swap3A_353 {strides = array<i32>} : memref<64x128xf32, #tpu.memory_space<vmem>>, vector<1x16xf32>,
        %get3A_354 = arith.index_cast %add3A_303 : i32 to index
        %get3A_355 = arith.constant 80 : index
        %get3A_356 = tpu.vector_load %arg6[%get3A_354, %get3A_355] {strides = array<i32>} : memref<64x128xf32, #tpu.memory_space<vmem>>, vector<1x16xf32>,
        %get3A_357 = vector.shape_cast %get3A_356 : vector<1x16xf32> to vector<16xf32>
        %add3A_358 = arith.addf %add3A_274, %get3A_357 : vector<16xf32>
        %swap3A_359 = arith.index_cast %add3A_303 : i32 to index
        %swap3A_360 = arith.constant 80 : index
        %swap3A_361 = tpu.vector_load %arg10[%swap3A_359, %swap3A_360] {strides = array<i32>} : memref<64x128xf32, #tpu.memory_space<vmem>>, vector<1x16xf32>,
        %swap3A_362 = vector.shape_cast %swap3A_361 : vector<1x16xf32> to vector<16xf32>
        %swap3A_363 = vector.shape_cast %add3A_358 : vector<16xf32> to vector<1x16xf32>
        tpu.vector_store %arg10[%swap3A_359, %swap3A_360], %swap3A_363 {strides = array<i32>} : memref<64x128xf32, #tpu.memory_space<vmem>>, vector<1x16xf32>,
        %get3A_364 = arith.index_cast %add3A_303 : i32 to index
        %get3A_365 = arith.constant 96 : index
        %get3A_366 = tpu.vector_load %arg6[%get3A_364, %get3A_365] {strides = array<i32>} : memref<64x128xf32, #tpu.memory_space<vmem>>, vector<1x16xf32>,
        %get3A_367 = vector.shape_cast %get3A_366 : vector<1x16xf32> to vector<16xf32>
        %add3A_368 = arith.addf %add3A_284, %get3A_367 : vector<16xf32>
        %swap3A_369 = arith.index_cast %add3A_303 : i32 to index
        %swap3A_370 = arith.constant 96 : index
        %swap3A_371 = tpu.vector_load %arg10[%swap3A_369, %swap3A_370] {strides = array<i32>} : memref<64x128xf32, #tpu.memory_space<vmem>>, vector<1x16xf32>,
        %swap3A_372 = vector.shape_cast %swap3A_371 : vector<1x16xf32> to vector<16xf32>
        %swap3A_373 = vector.shape_cast %add3A_368 : vector<16xf32> to vector<1x16xf32>
        tpu.vector_store %arg10[%swap3A_369, %swap3A_370], %swap3A_373 {strides = array<i32>} : memref<64x128xf32, #tpu.memory_space<vmem>>, vector<1x16xf32>,
        %get3A_374 = arith.index_cast %add3A_303 : i32 to index
        %get3A_375 = arith.constant 112 : index
        %get3A_376 = tpu.vector_load %arg6[%get3A_374, %get3A_375] {strides = array<i32>} : memref<64x128xf32, #tpu.memory_space<vmem>>, vector<1x16xf32>,
        %get3A_377 = vector.shape_cast %get3A_376 : vector<1x16xf32> to vector<16xf32>
        %add3A_378 = arith.addf %add3A_294, %get3A_377 : vector<16xf32>
        %swap3A_379 = arith.index_cast %add3A_303 : i32 to index
        %swap3A_380 = arith.constant 112 : index
        %swap3A_381 = tpu.vector_load %arg10[%swap3A_379, %swap3A_380] {strides = array<i32>} : memref<64x128xf32, #tpu.memory_space<vmem>>, vector<1x16xf32>,
        %swap3A_382 = vector.shape_cast %swap3A_381 : vector<1x16xf32> to vector<16xf32>
        %swap3A_383 = vector.shape_cast %add3A_378 : vector<16xf32> to vector<1x16xf32>
        tpu.vector_store %arg10[%swap3A_379, %swap3A_380], %swap3A_383 {strides = array<i32>} : memref<64x128xf32, #tpu.memory_space<vmem>>, vector<1x16xf32>,
        scf.yield %add3A_308, %add3A_318, %add3A_328, %add3A_338, %add3A_348, %add3A_358, %add3A_368, %add3A_378 : vector<16xf32>, vector<16xf32>, vector<16xf32>, vector<16xf32>, vector<16xf32>, vector<16xf32>, vector<16xf32>, vector<16xf32>
      }
      %scan3A_169 = arith.constant 32 : i32
      %mul3A_170 = arith.constant 64 : i32
      %mul3A_171 = arith.muli %add3A_154, %mul3A_170 : i32
      %dma_start3A_172 = tpu.memref_slice %arg3[%mul3A_171, %mul3A_2] : memref<8192x4096xf32, #tpu.memory_space<hbm>> -> memref<64x128xf32, #tpu.memory_space<hbm>>
      %dma_start3A_173 = tpu.memref_slice %arg3[%mul3A_171, %mul3A_2] : memref<8192x4096xf32, #tpu.memory_space<hbm>> -> memref<64x128xf32, #tpu.memory_space<hbm>>
      tpu.enqueue_dma source(%arg10 : memref<64x128xf32, #tpu.memory_space<vmem>>) target(%dma_start3A_173 : memref<64x128xf32, #tpu.memory_space<hbm>>) target_semaphore(%arg18 : memref<!tpu.dma_semaphore, #tpu.memory_space<semaphore_mem>>)
      %add3A_174 = arith.constant 4 : i32
      %add3A_175 = arith.addi %add3A_154, %add3A_174 : i32
      %lt3A_176 = arith.constant 128 : i32
      %lt3A_177 = arith.cmpi slt, %add3A_175, %lt3A_176 : i32
      %convert_element_type3A_178 = arith.extui %lt3A_177 : i1 to i32
      %cond3A_179 = arith.constant 0 : i32
      %cond3A_180 = arith.cmpi ne, %convert_element_type3A_178, %cond3A_179 : i32
      scf.if %cond3A_180 {
        %add3A_209 = arith.constant 4 : i32
        %add3A_210 = arith.addi %add3A_154, %add3A_209 : i32
        %mul3A_211 = arith.constant 64 : i32
        %mul3A_212 = arith.muli %add3A_210, %mul3A_211 : i32
        %dma_start3A_213 = tpu.memref_slice %arg2[%mul3A_212, %mul3A_2] : memref<8192x4096xf32, #tpu.memory_space<hbm>> -> memref<64x128xf32, #tpu.memory_space<hbm>>
        %dma_start3A_214 = tpu.memref_slice %arg2[%mul3A_212, %mul3A_2] : memref<8192x4096xf32, #tpu.memory_space<hbm>> -> memref<64x128xf32, #tpu.memory_space<hbm>>
        tpu.enqueue_dma source(%dma_start3A_214 : memref<64x128xf32, #tpu.memory_space<hbm>>) target(%arg6 : memref<64x128xf32, #tpu.memory_space<vmem>>) target_semaphore(%arg14 : memref<!tpu.dma_semaphore, #tpu.memory_space<semaphore_mem>>)
      } else {
      }
      %add3A_181 = arith.constant 3 : i32
      %add3A_182 = arith.addi %mul3A_63, %add3A_181 : i32
      %mul3A_183 = arith.constant 64 : i32
      %mul3A_184 = arith.muli %add3A_182, %mul3A_183 : i32
      %dma_wait3A_185 = tpu.memref_slice %arg2[%mul3A_184, %mul3A_2] : memref<8192x4096xf32, #tpu.memory_space<hbm>> -> memref<64x128xf32, #tpu.memory_space<hbm>>
      %dma_wait3A_186 = tpu.memref_slice %arg2[%mul3A_184, %mul3A_2] : memref<8192x4096xf32, #tpu.memory_space<hbm>> -> memref<64x128xf32, #tpu.memory_space<hbm>>
      tpu.wait_dma2 semaphore(%arg15 : memref<!tpu.dma_semaphore, #tpu.memory_space<semaphore_mem>>) src(%dma_wait3A_186 : memref<64x128xf32, #tpu.memory_space<hbm>>) dst(%arg7 : memref<64x128xf32, #tpu.memory_space<vmem>>)
      %gt3A_187 = arith.constant 0 : i32
      %gt3A_188 = arith.cmpi sgt, %scan3A_53, %gt3A_187 : i32
      %convert_element_type3A_189 = arith.extui %gt3A_188 : i1 to i32
      %cond3A_190 = arith.constant 0 : i32
      %cond3A_191 = arith.cmpi ne, %convert_element_type3A_189, %cond3A_190 : i32
      scf.if %cond3A_191 {
        %sub3A = arith.constant 4 : i32
        %sub3A_209 = arith.subi %add3A_182, %sub3A : i32
        %mul3A_210 = arith.constant 64 : i32
        %mul3A_211 = arith.muli %sub3A_209, %mul3A_210 : i32
        %dma_wait3A_212 = tpu.memref_slice %arg3[%mul3A_211, %mul3A_2] : memref<8192x4096xf32, #tpu.memory_space<hbm>> -> memref<64x128xf32, #tpu.memory_space<hbm>>
        %dma_wait3A_213 = tpu.memref_slice %arg3[%mul3A_211, %mul3A_2] : memref<8192x4096xf32, #tpu.memory_space<hbm>> -> memref<64x128xf32, #tpu.memory_space<hbm>>
        tpu.wait_dma2 semaphore(%arg19 : memref<!tpu.dma_semaphore, #tpu.memory_space<semaphore_mem>>) src(%arg11 : memref<64x128xf32, #tpu.memory_space<vmem>>) dst(%dma_wait3A_213 : memref<64x128xf32, #tpu.memory_space<hbm>>)
      } else {
      }
      %scan3A_192 = arith.constant 0 : i32
      %scan3A_193 = arith.constant 32 : i32
      %scan3A_194 = arith.addi %scan3A_192, %scan3A_193 : i32
      %scan3A_195 = arith.constant 1 : i32
      %scan3A_196:8 = scf.for %scan3A_209 = %scan3A_192 to %scan3A_194 step %scan3A_195 iter_args(%scan3A_210 = %scan3A_168#0, %scan3A_211 = %scan3A_168#1, %scan3A_212 = %scan3A_168#2, %scan3A_213 = %scan3A_168#3, %scan3A_214 = %scan3A_168#4, %scan3A_215 = %scan3A_168#5, %scan3A_216 = %scan3A_168#6, %scan3A_217 = %scan3A_168#7) -> (vector<16xf32>, vector<16xf32>, vector<16xf32>, vector<16xf32>, vector<16xf32>, vector<16xf32>, vector<16xf32>, vector<16xf32>)  : i32 {
        %mul3A_218 = arith.constant 2 : i32
        %mul3A_219 = arith.muli %scan3A_209, %mul3A_218 : i32
        %add3A_220 = arith.constant 0 : i32
        %add3A_221 = arith.addi %mul3A_219, %add3A_220 : i32
        %get3A = arith.index_cast %add3A_221 : i32 to index
        %get3A_222 = arith.constant 0 : index
        %get3A_223 = tpu.vector_load %arg7[%get3A, %get3A_222] {strides = array<i32>} : memref<64x128xf32, #tpu.memory_space<vmem>>, vector<1x16xf32>,
        %get3A_224 = vector.shape_cast %get3A_223 : vector<1x16xf32> to vector<16xf32>
        %add3A_225 = arith.addf %scan3A_210, %get3A_224 : vector<16xf32>
        %swap3A = arith.index_cast %add3A_221 : i32 to index
        %swap3A_226 = arith.constant 0 : index
        %swap3A_227 = tpu.vector_load %arg11[%swap3A, %swap3A_226] {strides = array<i32>} : memref<64x128xf32, #tpu.memory_space<vmem>>, vector<1x16xf32>,
        %swap3A_228 = vector.shape_cast %swap3A_227 : vector<1x16xf32> to vector<16xf32>
        %swap3A_229 = vector.shape_cast %add3A_225 : vector<16xf32> to vector<1x16xf32>
        tpu.vector_store %arg11[%swap3A, %swap3A_226], %swap3A_229 {strides = array<i32>} : memref<64x128xf32, #tpu.memory_space<vmem>>, vector<1x16xf32>,
        %get3A_230 = arith.index_cast %add3A_221 : i32 to index
        %get3A_231 = arith.constant 16 : index
        %get3A_232 = tpu.vector_load %arg7[%get3A_230, %get3A_231] {strides = array<i32>} : memref<64x128xf32, #tpu.memory_space<vmem>>, vector<1x16xf32>,
        %get3A_233 = vector.shape_cast %get3A_232 : vector<1x16xf32> to vector<16xf32>
        %add3A_234 = arith.addf %scan3A_211, %get3A_233 : vector<16xf32>
        %swap3A_235 = arith.index_cast %add3A_221 : i32 to index
        %swap3A_236 = arith.constant 16 : index
        %swap3A_237 = tpu.vector_load %arg11[%swap3A_235, %swap3A_236] {strides = array<i32>} : memref<64x128xf32, #tpu.memory_space<vmem>>, vector<1x16xf32>,
        %swap3A_238 = vector.shape_cast %swap3A_237 : vector<1x16xf32> to vector<16xf32>
        %swap3A_239 = vector.shape_cast %add3A_234 : vector<16xf32> to vector<1x16xf32>
        tpu.vector_store %arg11[%swap3A_235, %swap3A_236], %swap3A_239 {strides = array<i32>} : memref<64x128xf32, #tpu.memory_space<vmem>>, vector<1x16xf32>,
        %get3A_240 = arith.index_cast %add3A_221 : i32 to index
        %get3A_241 = arith.constant 32 : index
        %get3A_242 = tpu.vector_load %arg7[%get3A_240, %get3A_241] {strides = array<i32>} : memref<64x128xf32, #tpu.memory_space<vmem>>, vector<1x16xf32>,
        %get3A_243 = vector.shape_cast %get3A_242 : vector<1x16xf32> to vector<16xf32>
        %add3A_244 = arith.addf %scan3A_212, %get3A_243 : vector<16xf32>
        %swap3A_245 = arith.index_cast %add3A_221 : i32 to index
        %swap3A_246 = arith.constant 32 : index
        %swap3A_247 = tpu.vector_load %arg11[%swap3A_245, %swap3A_246] {strides = array<i32>} : memref<64x128xf32, #tpu.memory_space<vmem>>, vector<1x16xf32>,
        %swap3A_248 = vector.shape_cast %swap3A_247 : vector<1x16xf32> to vector<16xf32>
        %swap3A_249 = vector.shape_cast %add3A_244 : vector<16xf32> to vector<1x16xf32>
        tpu.vector_store %arg11[%swap3A_245, %swap3A_246], %swap3A_249 {strides = array<i32>} : memref<64x128xf32, #tpu.memory_space<vmem>>, vector<1x16xf32>,
        %get3A_250 = arith.index_cast %add3A_221 : i32 to index
        %get3A_251 = arith.constant 48 : index
        %get3A_252 = tpu.vector_load %arg7[%get3A_250, %get3A_251] {strides = array<i32>} : memref<64x128xf32, #tpu.memory_space<vmem>>, vector<1x16xf32>,
        %get3A_253 = vector.shape_cast %get3A_252 : vector<1x16xf32> to vector<16xf32>
        %add3A_254 = arith.addf %scan3A_213, %get3A_253 : vector<16xf32>
        %swap3A_255 = arith.index_cast %add3A_221 : i32 to index
        %swap3A_256 = arith.constant 48 : index
        %swap3A_257 = tpu.vector_load %arg11[%swap3A_255, %swap3A_256] {strides = array<i32>} : memref<64x128xf32, #tpu.memory_space<vmem>>, vector<1x16xf32>,
        %swap3A_258 = vector.shape_cast %swap3A_257 : vector<1x16xf32> to vector<16xf32>
        %swap3A_259 = vector.shape_cast %add3A_254 : vector<16xf32> to vector<1x16xf32>
        tpu.vector_store %arg11[%swap3A_255, %swap3A_256], %swap3A_259 {strides = array<i32>} : memref<64x128xf32, #tpu.memory_space<vmem>>, vector<1x16xf32>,
        %get3A_260 = arith.index_cast %add3A_221 : i32 to index
        %get3A_261 = arith.constant 64 : index
        %get3A_262 = tpu.vector_load %arg7[%get3A_260, %get3A_261] {strides = array<i32>} : memref<64x128xf32, #tpu.memory_space<vmem>>, vector<1x16xf32>,
        %get3A_263 = vector.shape_cast %get3A_262 : vector<1x16xf32> to vector<16xf32>
        %add3A_264 = arith.addf %scan3A_214, %get3A_263 : vector<16xf32>
        %swap3A_265 = arith.index_cast %add3A_221 : i32 to index
        %swap3A_266 = arith.constant 64 : index
        %swap3A_267 = tpu.vector_load %arg11[%swap3A_265, %swap3A_266] {strides = array<i32>} : memref<64x128xf32, #tpu.memory_space<vmem>>, vector<1x16xf32>,
        %swap3A_268 = vector.shape_cast %swap3A_267 : vector<1x16xf32> to vector<16xf32>
        %swap3A_269 = vector.shape_cast %add3A_264 : vector<16xf32> to vector<1x16xf32>
        tpu.vector_store %arg11[%swap3A_265, %swap3A_266], %swap3A_269 {strides = array<i32>} : memref<64x128xf32, #tpu.memory_space<vmem>>, vector<1x16xf32>,
        %get3A_270 = arith.index_cast %add3A_221 : i32 to index
        %get3A_271 = arith.constant 80 : index
        %get3A_272 = tpu.vector_load %arg7[%get3A_270, %get3A_271] {strides = array<i32>} : memref<64x128xf32, #tpu.memory_space<vmem>>, vector<1x16xf32>,
        %get3A_273 = vector.shape_cast %get3A_272 : vector<1x16xf32> to vector<16xf32>
        %add3A_274 = arith.addf %scan3A_215, %get3A_273 : vector<16xf32>
        %swap3A_275 = arith.index_cast %add3A_221 : i32 to index
        %swap3A_276 = arith.constant 80 : index
        %swap3A_277 = tpu.vector_load %arg11[%swap3A_275, %swap3A_276] {strides = array<i32>} : memref<64x128xf32, #tpu.memory_space<vmem>>, vector<1x16xf32>,
        %swap3A_278 = vector.shape_cast %swap3A_277 : vector<1x16xf32> to vector<16xf32>
        %swap3A_279 = vector.shape_cast %add3A_274 : vector<16xf32> to vector<1x16xf32>
        tpu.vector_store %arg11[%swap3A_275, %swap3A_276], %swap3A_279 {strides = array<i32>} : memref<64x128xf32, #tpu.memory_space<vmem>>, vector<1x16xf32>,
        %get3A_280 = arith.index_cast %add3A_221 : i32 to index
        %get3A_281 = arith.constant 96 : index
        %get3A_282 = tpu.vector_load %arg7[%get3A_280, %get3A_281] {strides = array<i32>} : memref<64x128xf32, #tpu.memory_space<vmem>>, vector<1x16xf32>,
        %get3A_283 = vector.shape_cast %get3A_282 : vector<1x16xf32> to vector<16xf32>
        %add3A_284 = arith.addf %scan3A_216, %get3A_283 : vector<16xf32>
        %swap3A_285 = arith.index_cast %add3A_221 : i32 to index
        %swap3A_286 = arith.constant 96 : index
        %swap3A_287 = tpu.vector_load %arg11[%swap3A_285, %swap3A_286] {strides = array<i32>} : memref<64x128xf32, #tpu.memory_space<vmem>>, vector<1x16xf32>,
        %swap3A_288 = vector.shape_cast %swap3A_287 : vector<1x16xf32> to vector<16xf32>
        %swap3A_289 = vector.shape_cast %add3A_284 : vector<16xf32> to vector<1x16xf32>
        tpu.vector_store %arg11[%swap3A_285, %swap3A_286], %swap3A_289 {strides = array<i32>} : memref<64x128xf32, #tpu.memory_space<vmem>>, vector<1x16xf32>,
        %get3A_290 = arith.index_cast %add3A_221 : i32 to index
        %get3A_291 = arith.constant 112 : index
        %get3A_292 = tpu.vector_load %arg7[%get3A_290, %get3A_291] {strides = array<i32>} : memref<64x128xf32, #tpu.memory_space<vmem>>, vector<1x16xf32>,
        %get3A_293 = vector.shape_cast %get3A_292 : vector<1x16xf32> to vector<16xf32>
        %add3A_294 = arith.addf %scan3A_217, %get3A_293 : vector<16xf32>
        %swap3A_295 = arith.index_cast %add3A_221 : i32 to index
        %swap3A_296 = arith.constant 112 : index
        %swap3A_297 = tpu.vector_load %arg11[%swap3A_295, %swap3A_296] {strides = array<i32>} : memref<64x128xf32, #tpu.memory_space<vmem>>, vector<1x16xf32>,
        %swap3A_298 = vector.shape_cast %swap3A_297 : vector<1x16xf32> to vector<16xf32>
        %swap3A_299 = vector.shape_cast %add3A_294 : vector<16xf32> to vector<1x16xf32>
        tpu.vector_store %arg11[%swap3A_295, %swap3A_296], %swap3A_299 {strides = array<i32>} : memref<64x128xf32, #tpu.memory_space<vmem>>, vector<1x16xf32>,
        %mul3A_300 = arith.constant 2 : i32
        %mul3A_301 = arith.muli %scan3A_209, %mul3A_300 : i32
        %add3A_302 = arith.constant 1 : i32
        %add3A_303 = arith.addi %mul3A_301, %add3A_302 : i32
        %get3A_304 = arith.index_cast %add3A_303 : i32 to index
        %get3A_305 = arith.constant 0 : index
        %get3A_306 = tpu.vector_load %arg7[%get3A_304, %get3A_305] {strides = array<i32>} : memref<64x128xf32, #tpu.memory_space<vmem>>, vector<1x16xf32>,
        %get3A_307 = vector.shape_cast %get3A_306 : vector<1x16xf32> to vector<16xf32>
        %add3A_308 = arith.addf %add3A_225, %get3A_307 : vector<16xf32>
        %swap3A_309 = arith.index_cast %add3A_303 : i32 to index
        %swap3A_310 = arith.constant 0 : index
        %swap3A_311 = tpu.vector_load %arg11[%swap3A_309, %swap3A_310] {strides = array<i32>} : memref<64x128xf32, #tpu.memory_space<vmem>>, vector<1x16xf32>,
        %swap3A_312 = vector.shape_cast %swap3A_311 : vector<1x16xf32> to vector<16xf32>
        %swap3A_313 = vector.shape_cast %add3A_308 : vector<16xf32> to vector<1x16xf32>
        tpu.vector_store %arg11[%swap3A_309, %swap3A_310], %swap3A_313 {strides = array<i32>} : memref<64x128xf32, #tpu.memory_space<vmem>>, vector<1x16xf32>,
        %get3A_314 = arith.index_cast %add3A_303 : i32 to index
        %get3A_315 = arith.constant 16 : index
        %get3A_316 = tpu.vector_load %arg7[%get3A_314, %get3A_315] {strides = array<i32>} : memref<64x128xf32, #tpu.memory_space<vmem>>, vector<1x16xf32>,
        %get3A_317 = vector.shape_cast %get3A_316 : vector<1x16xf32> to vector<16xf32>
        %add3A_318 = arith.addf %add3A_234, %get3A_317 : vector<16xf32>
        %swap3A_319 = arith.index_cast %add3A_303 : i32 to index
        %swap3A_320 = arith.constant 16 : index
        %swap3A_321 = tpu.vector_load %arg11[%swap3A_319, %swap3A_320] {strides = array<i32>} : memref<64x128xf32, #tpu.memory_space<vmem>>, vector<1x16xf32>,
        %swap3A_322 = vector.shape_cast %swap3A_321 : vector<1x16xf32> to vector<16xf32>
        %swap3A_323 = vector.shape_cast %add3A_318 : vector<16xf32> to vector<1x16xf32>
        tpu.vector_store %arg11[%swap3A_319, %swap3A_320], %swap3A_323 {strides = array<i32>} : memref<64x128xf32, #tpu.memory_space<vmem>>, vector<1x16xf32>,
        %get3A_324 = arith.index_cast %add3A_303 : i32 to index
        %get3A_325 = arith.constant 32 : index
        %get3A_326 = tpu.vector_load %arg7[%get3A_324, %get3A_325] {strides = array<i32>} : memref<64x128xf32, #tpu.memory_space<vmem>>, vector<1x16xf32>,
        %get3A_327 = vector.shape_cast %get3A_326 : vector<1x16xf32> to vector<16xf32>
        %add3A_328 = arith.addf %add3A_244, %get3A_327 : vector<16xf32>
        %swap3A_329 = arith.index_cast %add3A_303 : i32 to index
        %swap3A_330 = arith.constant 32 : index
        %swap3A_331 = tpu.vector_load %arg11[%swap3A_329, %swap3A_330] {strides = array<i32>} : memref<64x128xf32, #tpu.memory_space<vmem>>, vector<1x16xf32>,
        %swap3A_332 = vector.shape_cast %swap3A_331 : vector<1x16xf32> to vector<16xf32>
        %swap3A_333 = vector.shape_cast %add3A_328 : vector<16xf32> to vector<1x16xf32>
        tpu.vector_store %arg11[%swap3A_329, %swap3A_330], %swap3A_333 {strides = array<i32>} : memref<64x128xf32, #tpu.memory_space<vmem>>, vector<1x16xf32>,
        %get3A_334 = arith.index_cast %add3A_303 : i32 to index
        %get3A_335 = arith.constant 48 : index
        %get3A_336 = tpu.vector_load %arg7[%get3A_334, %get3A_335] {strides = array<i32>} : memref<64x128xf32, #tpu.memory_space<vmem>>, vector<1x16xf32>,
        %get3A_337 = vector.shape_cast %get3A_336 : vector<1x16xf32> to vector<16xf32>
        %add3A_338 = arith.addf %add3A_254, %get3A_337 : vector<16xf32>
        %swap3A_339 = arith.index_cast %add3A_303 : i32 to index
        %swap3A_340 = arith.constant 48 : index
        %swap3A_341 = tpu.vector_load %arg11[%swap3A_339, %swap3A_340] {strides = array<i32>} : memref<64x128xf32, #tpu.memory_space<vmem>>, vector<1x16xf32>,
        %swap3A_342 = vector.shape_cast %swap3A_341 : vector<1x16xf32> to vector<16xf32>
        %swap3A_343 = vector.shape_cast %add3A_338 : vector<16xf32> to vector<1x16xf32>
        tpu.vector_store %arg11[%swap3A_339, %swap3A_340], %swap3A_343 {strides = array<i32>} : memref<64x128xf32, #tpu.memory_space<vmem>>, vector<1x16xf32>,
        %get3A_344 = arith.index_cast %add3A_303 : i32 to index
        %get3A_345 = arith.constant 64 : index
        %get3A_346 = tpu.vector_load %arg7[%get3A_344, %get3A_345] {strides = array<i32>} : memref<64x128xf32, #tpu.memory_space<vmem>>, vector<1x16xf32>,
        %get3A_347 = vector.shape_cast %get3A_346 : vector<1x16xf32> to vector<16xf32>
        %add3A_348 = arith.addf %add3A_264, %get3A_347 : vector<16xf32>
        %swap3A_349 = arith.index_cast %add3A_303 : i32 to index
        %swap3A_350 = arith.constant 64 : index
        %swap3A_351 = tpu.vector_load %arg11[%swap3A_349, %swap3A_350] {strides = array<i32>} : memref<64x128xf32, #tpu.memory_space<vmem>>, vector<1x16xf32>,
        %swap3A_352 = vector.shape_cast %swap3A_351 : vector<1x16xf32> to vector<16xf32>
        %swap3A_353 = vector.shape_cast %add3A_348 : vector<16xf32> to vector<1x16xf32>
        tpu.vector_store %arg11[%swap3A_349, %swap3A_350], %swap3A_353 {strides = array<i32>} : memref<64x128xf32, #tpu.memory_space<vmem>>, vector<1x16xf32>,
        %get3A_354 = arith.index_cast %add3A_303 : i32 to index
        %get3A_355 = arith.constant 80 : index
        %get3A_356 = tpu.vector_load %arg7[%get3A_354, %get3A_355] {strides = array<i32>} : memref<64x128xf32, #tpu.memory_space<vmem>>, vector<1x16xf32>,
        %get3A_357 = vector.shape_cast %get3A_356 : vector<1x16xf32> to vector<16xf32>
        %add3A_358 = arith.addf %add3A_274, %get3A_357 : vector<16xf32>
        %swap3A_359 = arith.index_cast %add3A_303 : i32 to index
        %swap3A_360 = arith.constant 80 : index
        %swap3A_361 = tpu.vector_load %arg11[%swap3A_359, %swap3A_360] {strides = array<i32>} : memref<64x128xf32, #tpu.memory_space<vmem>>, vector<1x16xf32>,
        %swap3A_362 = vector.shape_cast %swap3A_361 : vector<1x16xf32> to vector<16xf32>
        %swap3A_363 = vector.shape_cast %add3A_358 : vector<16xf32> to vector<1x16xf32>
        tpu.vector_store %arg11[%swap3A_359, %swap3A_360], %swap3A_363 {strides = array<i32>} : memref<64x128xf32, #tpu.memory_space<vmem>>, vector<1x16xf32>,
        %get3A_364 = arith.index_cast %add3A_303 : i32 to index
        %get3A_365 = arith.constant 96 : index
        %get3A_366 = tpu.vector_load %arg7[%get3A_364, %get3A_365] {strides = array<i32>} : memref<64x128xf32, #tpu.memory_space<vmem>>, vector<1x16xf32>,
        %get3A_367 = vector.shape_cast %get3A_366 : vector<1x16xf32> to vector<16xf32>
        %add3A_368 = arith.addf %add3A_284, %get3A_367 : vector<16xf32>
        %swap3A_369 = arith.index_cast %add3A_303 : i32 to index
        %swap3A_370 = arith.constant 96 : index
        %swap3A_371 = tpu.vector_load %arg11[%swap3A_369, %swap3A_370] {strides = array<i32>} : memref<64x128xf32, #tpu.memory_space<vmem>>, vector<1x16xf32>,
        %swap3A_372 = vector.shape_cast %swap3A_371 : vector<1x16xf32> to vector<16xf32>
        %swap3A_373 = vector.shape_cast %add3A_368 : vector<16xf32> to vector<1x16xf32>
        tpu.vector_store %arg11[%swap3A_369, %swap3A_370], %swap3A_373 {strides = array<i32>} : memref<64x128xf32, #tpu.memory_space<vmem>>, vector<1x16xf32>,
        %get3A_374 = arith.index_cast %add3A_303 : i32 to index
        %get3A_375 = arith.constant 112 : index
        %get3A_376 = tpu.vector_load %arg7[%get3A_374, %get3A_375] {strides = array<i32>} : memref<64x128xf32, #tpu.memory_space<vmem>>, vector<1x16xf32>,
        %get3A_377 = vector.shape_cast %get3A_376 : vector<1x16xf32> to vector<16xf32>
        %add3A_378 = arith.addf %add3A_294, %get3A_377 : vector<16xf32>
        %swap3A_379 = arith.index_cast %add3A_303 : i32 to index
        %swap3A_380 = arith.constant 112 : index
        %swap3A_381 = tpu.vector_load %arg11[%swap3A_379, %swap3A_380] {strides = array<i32>} : memref<64x128xf32, #tpu.memory_space<vmem>>, vector<1x16xf32>,
        %swap3A_382 = vector.shape_cast %swap3A_381 : vector<1x16xf32> to vector<16xf32>
        %swap3A_383 = vector.shape_cast %add3A_378 : vector<16xf32> to vector<1x16xf32>
        tpu.vector_store %arg11[%swap3A_379, %swap3A_380], %swap3A_383 {strides = array<i32>} : memref<64x128xf32, #tpu.memory_space<vmem>>, vector<1x16xf32>,
        scf.yield %add3A_308, %add3A_318, %add3A_328, %add3A_338, %add3A_348, %add3A_358, %add3A_368, %add3A_378 : vector<16xf32>, vector<16xf32>, vector<16xf32>, vector<16xf32>, vector<16xf32>, vector<16xf32>, vector<16xf32>, vector<16xf32>
      }
      %scan3A_197 = arith.constant 32 : i32
      %mul3A_198 = arith.constant 64 : i32
      %mul3A_199 = arith.muli %add3A_182, %mul3A_198 : i32
      %dma_start3A_200 = tpu.memref_slice %arg3[%mul3A_199, %mul3A_2] : memref<8192x4096xf32, #tpu.memory_space<hbm>> -> memref<64x128xf32, #tpu.memory_space<hbm>>
      %dma_start3A_201 = tpu.memref_slice %arg3[%mul3A_199, %mul3A_2] : memref<8192x4096xf32, #tpu.memory_space<hbm>> -> memref<64x128xf32, #tpu.memory_space<hbm>>
      tpu.enqueue_dma source(%arg11 : memref<64x128xf32, #tpu.memory_space<vmem>>) target(%dma_start3A_201 : memref<64x128xf32, #tpu.memory_space<hbm>>) target_semaphore(%arg19 : memref<!tpu.dma_semaphore, #tpu.memory_space<semaphore_mem>>)
      %add3A_202 = arith.constant 4 : i32
      %add3A_203 = arith.addi %add3A_182, %add3A_202 : i32
      %lt3A_204 = arith.constant 128 : i32
      %lt3A_205 = arith.cmpi slt, %add3A_203, %lt3A_204 : i32
      %convert_element_type3A_206 = arith.extui %lt3A_205 : i1 to i32
      %cond3A_207 = arith.constant 0 : i32
      %cond3A_208 = arith.cmpi ne, %convert_element_type3A_206, %cond3A_207 : i32
      scf.if %cond3A_208 {
        %add3A_209 = arith.constant 4 : i32
        %add3A_210 = arith.addi %add3A_182, %add3A_209 : i32
        %mul3A_211 = arith.constant 64 : i32
        %mul3A_212 = arith.muli %add3A_210, %mul3A_211 : i32
        %dma_start3A_213 = tpu.memref_slice %arg2[%mul3A_212, %mul3A_2] : memref<8192x4096xf32, #tpu.memory_space<hbm>> -> memref<64x128xf32, #tpu.memory_space<hbm>>
        %dma_start3A_214 = tpu.memref_slice %arg2[%mul3A_212, %mul3A_2] : memref<8192x4096xf32, #tpu.memory_space<hbm>> -> memref<64x128xf32, #tpu.memory_space<hbm>>
        tpu.enqueue_dma source(%dma_start3A_214 : memref<64x128xf32, #tpu.memory_space<hbm>>) target(%arg7 : memref<64x128xf32, #tpu.memory_space<vmem>>) target_semaphore(%arg15 : memref<!tpu.dma_semaphore, #tpu.memory_space<semaphore_mem>>)
      } else {
      }
      scf.yield %scan3A_196#0, %scan3A_196#1, %scan3A_196#2, %scan3A_196#3, %scan3A_196#4, %scan3A_196#5, %scan3A_196#6, %scan3A_196#7 : vector<16xf32>, vector<16xf32>, vector<16xf32>, vector<16xf32>, vector<16xf32>, vector<16xf32>, vector<16xf32>, vector<16xf32>
    }
    %scan3A_37 = arith.constant 32 : i32
    %dma_wait3A = arith.constant 7936 : i32
    %dma_wait3A_38 = tpu.memref_slice %arg3[%dma_wait3A, %mul3A_2] : memref<8192x4096xf32, #tpu.memory_space<hbm>> -> memref<64x128xf32, #tpu.memory_space<hbm>>
    %dma_wait3A_39 = arith.constant 7936 : i32
    %dma_wait3A_40 = tpu.memref_slice %arg3[%dma_wait3A_39, %mul3A_2] : memref<8192x4096xf32, #tpu.memory_space<hbm>> -> memref<64x128xf32, #tpu.memory_space<hbm>>
    tpu.wait_dma2 semaphore(%arg16 : memref<!tpu.dma_semaphore, #tpu.memory_space<semaphore_mem>>) src(%arg8 : memref<64x128xf32, #tpu.memory_space<vmem>>) dst(%dma_wait3A_40 : memref<64x128xf32, #tpu.memory_space<hbm>>)
    %dma_wait3A_41 = arith.constant 8000 : i32
    %dma_wait3A_42 = tpu.memref_slice %arg3[%dma_wait3A_41, %mul3A_2] : memref<8192x4096xf32, #tpu.memory_space<hbm>> -> memref<64x128xf32, #tpu.memory_space<hbm>>
    %dma_wait3A_43 = arith.constant 8000 : i32
    %dma_wait3A_44 = tpu.memref_slice %arg3[%dma_wait3A_43, %mul3A_2] : memref<8192x4096xf32, #tpu.memory_space<hbm>> -> memref<64x128xf32, #tpu.memory_space<hbm>>
    tpu.wait_dma2 semaphore(%arg17 : memref<!tpu.dma_semaphore, #tpu.memory_space<semaphore_mem>>) src(%arg9 : memref<64x128xf32, #tpu.memory_space<vmem>>) dst(%dma_wait3A_44 : memref<64x128xf32, #tpu.memory_space<hbm>>)
    %dma_wait3A_45 = arith.constant 8064 : i32
    %dma_wait3A_46 = tpu.memref_slice %arg3[%dma_wait3A_45, %mul3A_2] : memref<8192x4096xf32, #tpu.memory_space<hbm>> -> memref<64x128xf32, #tpu.memory_space<hbm>>
    %dma_wait3A_47 = arith.constant 8064 : i32
    %dma_wait3A_48 = tpu.memref_slice %arg3[%dma_wait3A_47, %mul3A_2] : memref<8192x4096xf32, #tpu.memory_space<hbm>> -> memref<64x128xf32, #tpu.memory_space<hbm>>
    tpu.wait_dma2 semaphore(%arg18 : memref<!tpu.dma_semaphore, #tpu.memory_space<semaphore_mem>>) src(%arg10 : memref<64x128xf32, #tpu.memory_space<vmem>>) dst(%dma_wait3A_48 : memref<64x128xf32, #tpu.memory_space<hbm>>)
    %dma_wait3A_49 = arith.constant 8128 : i32
    %dma_wait3A_50 = tpu.memref_slice %arg3[%dma_wait3A_49, %mul3A_2] : memref<8192x4096xf32, #tpu.memory_space<hbm>> -> memref<64x128xf32, #tpu.memory_space<hbm>>
    %dma_wait3A_51 = arith.constant 8128 : i32
    %dma_wait3A_52 = tpu.memref_slice %arg3[%dma_wait3A_51, %mul3A_2] : memref<8192x4096xf32, #tpu.memory_space<hbm>> -> memref<64x128xf32, #tpu.memory_space<hbm>>
    tpu.wait_dma2 semaphore(%arg19 : memref<!tpu.dma_semaphore, #tpu.memory_space<semaphore_mem>>) src(%arg11 : memref<64x128xf32, #tpu.memory_space<vmem>>) dst(%dma_wait3A_52 : memref<64x128xf32, #tpu.memory_space<hbm>>)
    return
  }
}

</mosaic_0001>

<sc_bundles>
// kernel: kernel.3.cloned.1.call-start
scs
__scs_entry_jumppad:
0x0: {  	(pc) =	sbr.rel $0x88, $3  }
0x1: {  	(tag) =	ssettag $0x0;
	lr =	simm.s32 $0x1  }
0x2: {  	[smem:$0x3F9F] =	sst lr;
	_ =	strace $0xD0000000  }
0x3: {  	_ = 	snop  }
0x4: {  	_ = 	snop  }
0x5: {  	_ = 	snop  }
0x6: {  	_ = 	snop  }
0x7: {  	_ = 	snop  }
__scs_overlays_trampoline_lowered:
0x8: {  	[smem:$0x3FAE] =	sst s0  }
0x9: {  	[smem:$0x3FAF] =	sst s1  }
0xa: {  	[smem:$0x3FB0] =	sst s2  }
0xb: {  	[smem:$0x3FB1] =	sst s3  }
0xc: {  	[smem:$0x3FB2] =	sst s4  }
0xd: {  	[smem:$0x3FB3] =	sst s5  }
0xe: {  	[smem:$0x3FB4] =	sst s6  }
0xf: {  	[smem:$0x3FB5] =	sst s7  }
0x10: {  	[smem:$0x3FB6] =	sst s8  }
0x11: {  	[smem:$0x3FB7] =	sst s9;
	s0 =	simm.s32 @!p0 $0x0  }
0x12: {  	s1 =	sld [smem:$0x3F9D];
	s0 =	simm.s32 @p0 $0x1  }
0x13: {  	[smem:$0x3FB8] =	sst s0;
	s0 =	simm.s32 @!p1 $0x0  }
0x14: {  	s2 =	sld [smem:$0x3F9C];
	s0 =	simm.s32 @p1 $0x1  }
0x15: {  	[smem:$0x3FB9] =	sst s0;
	s0 =	simm.s32 @!p2 $0x0  }
0x16: {  	s3 =	sld [smem:$0x3FDB];
	s0 =	simm.s32 @p2 $0x1  }
0x17: {  	s4 =	simm.s32 $0x1BF5;
	[smem:$0x3FBB] =	sst s0  }
0x18: {  	s0 =	sld [smem:$0x3F9E];
	_ =	swait.ge [sflag:s4], $0x0  }
0x19: {  	s7 =	sld [smem:$0x3F9F]  }
0x1a: {  	s8 =	sadd.s32 $0xFFFFE003, lr  }
0x1b: {  	s9 =	sadd.s32 $0xFFFFFEF7, lr;
	s5 =	simm.s32 $0xFFFFFFFF;
	p2 =	slt.u32 s8, $0xFFFFF086  }
0x1c: {  	p1 =	slt.u32 s9, $0xF7A;
	s5 =	simm.s32 @!p2 $0x0  }
0x1d: {  	s5 =	simm.s32 @p1 $0x1;
	p0 =	seq.s32 s7, s2  }
0x1e: {  	s7 =	smul.u32 @!p0 $0xF7A, s2;
	p2 =	seq.s32 @!p0 s5, $0x0  }
0x1f: {  	s9 =	smul.u32 $0xF7A, s1;
	s8 =	simm.s32 @!p0 $0x1BF5;
	p2 =	por !p2, p0  }
0x20: {  	[sflag:s8] =	ssyncset.s32 @!p0 $0xFFFFF086;
	s6 =	sadd.s32 @!p0 s3, s7;
	s7 =	simm.s32 @!p0 $0x108  }
0x21: {  	s3 =	sadd.s32 s3, s9;
	s6 =	sadd.s32 @!p0 $0x88, s6;
	s7 =	simm.s32 @p2 $0x1082  }
0x22: {  	[simem:s7], [sflag:s8] =	dma.local @!p0 [hbm:s6], $0xF7A  }
0x23: {  	s9 =	sor.u32 $0xD0000000, s2;
	s6 =	simm.s32 $0x108;
	_ =	swait.ge @!p0 [sflag:s8], $0x0  }
0x24: {  	s3 =	sadd.s32 $0x88, s3;
	s6 =	simm.s32 @!p1 $0x1082;
	[sflag:s4] =	ssyncset.s32 $0xFFFFF086  }
0x25: {  	[simem:s6], [sflag:s4] =	dma.local [hbm:s3], $0xF7A  }
0x26: {  	[smem:$0x3F9F] =	sst s1;
	(tag) =	ssettag s2;
	_ =	strace s9  }
0x27: {  	s1 =	sld [smem:$0x3FAF]  }
0x28: {  	s2 =	sld [smem:$0x3FB0]  }
0x29: {  	s4 =	sld [smem:$0x3FB2]  }
0x2a: {  	p0 =	seq.s32 s5, $0x0;
	s5 =	sld [smem:$0x3FB3]  }
0x2b: {  	s6 =	sld [smem:$0x3FB4]  }
0x2c: {  	s7 =	sld [smem:$0x3FB5]  }
0x2d: {  	s3 =	simm.s32 $0x108;
	s8 =	sld [smem:$0x3FB6]  }
0x2e: {  	s3 =	simm.s32 @!p0 $0x1082;
	s9 =	sld [smem:$0x3FB7]  }
0x2f: {  	lr =	sadd.s32 s0, s3;
	s0 =	sld [smem:$0x3FAE]  }
0x30: {  	s3 =	sld [smem:$0x3FB1]  }
0x31: {  	[smem:$0x3FBA] =	sst s10  }
0x32: {  	s10 =	sld [smem:$0x3FB8];
	_ =	sdelay $0x3  }
0x33: {  	p0 =	seq.s32 s10, $0x1;
	s10 =	sld [smem:$0x3FBA];
	_ =	sdelay $0x3  }
0x34: {  	[smem:$0x3FBA] =	sst s10  }
0x35: {  	s10 =	sld [smem:$0x3FB9];
	_ =	sdelay $0x3  }
0x36: {  	p1 =	seq.s32 s10, $0x1;
	s10 =	sld [smem:$0x3FBA];
	_ =	sdelay $0x3  }
0x37: {  	[smem:$0x3FBA] =	sst s10  }
0x38: {  	s10 =	sld [smem:$0x3FBB]  }
0x39: {  	_ = 	snop;
	(pc) =	sbr.ind lr, $3  }
0x3a: {  	_ = 	snop  }
0x3b: {  	_ = 	snop  }
0x3c: {  	p2 =	seq.s32 s10, $0x1;
	s10 =	sld [smem:$0x3FBA]  }
0x3d: {  	_ =	shalt  }
0x3e: {  	_ =	shalt  }
0x3f: {  	_ =	shalt  }
0x40: {  	_ =	shalt  }
0x41: {  	_ =	shalt  }
0x42: {  	_ =	shalt  }
0x43: {  	_ =	shalt  }
0x44: {  	_ =	shalt  }
0x45: {  	_ =	shalt  }
0x46: {  	_ =	shalt  }
0x47: {  	_ =	shalt  }
0x48: {  	_ =	shalt  }
0x49: {  	_ =	shalt  }
0x4a: {  	_ =	shalt  }
0x4b: {  	_ =	shalt  }
0x4c: {  	_ =	shalt  }
0x4d: {  	_ =	shalt  }
0x4e: {  	_ =	shalt  }
0x4f: {  	_ =	shalt  }
0x50: {  	_ =	shalt  }
0x51: {  	_ =	shalt  }
0x52: {  	_ =	shalt  }
0x53: {  	_ =	shalt  }
0x54: {  	_ =	shalt  }
0x55: {  	_ =	shalt  }
0x56: {  	_ =	shalt  }
0x57: {  	_ =	shalt  }
0x58: {  	_ =	shalt  }
0x59: {  	_ =	shalt  }
0x5a: {  	_ =	shalt  }
0x5b: {  	_ =	shalt  }
0x5c: {  	_ =	shalt  }
0x5d: {  	_ =	shalt  }
0x5e: {  	_ =	shalt  }
0x5f: {  	_ =	shalt  }
0x60: {  	_ =	shalt  }
0x61: {  	_ =	shalt  }
0x62: {  	_ =	shalt  }
0x63: {  	_ =	shalt  }
0x64: {  	_ =	shalt  }
0x65: {  	_ =	shalt  }
0x66: {  	_ =	shalt  }
0x67: {  	_ =	shalt  }
0x68: {  	_ =	shalt  }
0x69: {  	_ =	shalt  }
0x6a: {  	_ =	shalt  }
0x6b: {  	_ =	shalt  }
0x6c: {  	_ =	shalt  }
0x6d: {  	_ =	shalt  }
0x6e: {  	_ =	shalt  }
0x6f: {  	_ =	shalt  }
0x70: {  	_ =	shalt  }
0x71: {  	_ =	shalt  }
0x72: {  	_ =	shalt  }
0x73: {  	_ =	shalt  }
0x74: {  	_ =	shalt  }
0x75: {  	_ =	shalt  }
0x76: {  	_ =	shalt  }
0x77: {  	_ =	shalt  }
0x78: {  	_ =	shalt  }
0x79: {  	_ =	shalt  }
0x7a: {  	_ =	shalt  }
0x7b: {  	_ =	shalt  }
0x7c: {  	_ =	shalt  }
0x7d: {  	_ =	shalt  }
0x7e: {  	_ =	shalt  }
0x7f: {  	_ =	shalt  }
0x80: {  	_ =	shalt  }
0x81: {  	_ =	shalt  }
0x82: {  	_ =	shalt  }
0x83: {  	_ =	shalt  }
0x84: {  	_ =	shalt  }
0x85: {  	_ =	shalt  }
0x86: {  	_ =	shalt  }
0x87: {  	_ =	shalt  }
.Lfunc_end0:
.L_simem_size_0:
called_computation_lowered:
.L_overlay_start_0:
0x88: {  	s2 =	sld [smem:$0x3FD9]  }
0x89: {  	s3 =	sld [smem:$0x3FFE];
	_ =	sdelay $0x1  }
0x8a: {  	s1 =	srdreg.scid  }
0x8b: {  	s0 =	sand.u32 $0x1, s1  }
0x8c: {  	s18 =	sshll.u32 s0, $0xA;
	s2 =	sadd.s32 s3, s2  }
0x8d: {  	s2 =	sadd.s32 s2, s18  }
0x8e: {  	[smem:$0x3FC6] =	sst s2  }
0x8f: {  	_ = 	snop  }
0x90: {  	s2 =	sld [smem:$0x3FC9]  }
0x91: {  	s19 =	sld [smem:$0x3FD0];
	(tm) =	ssettm $0x1  }
0x92: {  	s4 =	sld [smem:$0x3FFB];
	_ =	sdelay $0x3  }
0x93: {  	_ =	strace s4  }
0x94: {  	s4 =	sld [smem:$0x3FFC];
	_ =	sdelay $0x3  }
0x95: {  	_ =	strace s4  }
0x96: {  	s4 =	sld [smem:$0x3FFD];
	_ =	sdelay $0x3  }
0x97: {  	_ =	strace s4  }
0x98: {  	_ =	strace $0x8FFFFFFF  }
0x99: {  	s20 =	sld [smem:$0x3FDB];
	_ =	sdelay $0x1  }
0x9a: {  	s5 =	simm.s32 $_scs_section_size  }
0x9b: {  	s6 =	simm.s32 $_size__tile_overlayer_lowered;
	s7 =	simm.s32 $_tile_overlayer_lowered  }
0x9c: {  	s23 =	simm.s32 $0x1BFF;
	s22 =	sshll.u32 s7, $0x1;
	s4 =	sadd.s32 s5, s20  }
0x9d: {  	s8 =	simm.s32 $0x0;
	s21 =	sshll.u32 s6, $0x1;
	s6 =	sadd.s32 s22, s4  }
0x9e: {  	[timem:s8], [sflag:s23] =	dma.local [hbm:s6], s21  }
0x9f: {  	_ =	swait.ge [sflag:s23], s21  }
0xa0: {  	s5 =	ssub.s32 $0x0, s21;
	[sflag:s23] =	ssyncset.done $0x0  }
0xa1: {  	[sflag:s23] =	ssyncadd.s32 s5;
	_ =	sdelay $0x1  }
0xa2: {  	s24 =	simm.s32 $0x1B8B  }
0xa3: {  	_ =	swait.ge [sflag:s24], $0x1  }
0xa4: {  	[sflag:s24] =	ssyncset.done $0x0  }
0xa5: {  	s25 =	simm.s32 $0x1B8E;
	[sflag:s24] =	ssyncadd.s32 $0xFFFFFFFF  }
0xa6: {  	s26 =	simm.s32 $execute0_lowered;
	[smem:$0x3FD2] =	sst s25  }
0xa7: {  	s5 =	sshll.u32 s26, $0x1;
	_ =	strace $0x80000046;
	[dreg:$0x1] =	wrdreg $0xFFFFFFFF  }
0xa8: {  	s28 =	simm.s32 $_size_execute0_lowered;
	s4 =	sadd.s32 s4, s5;
	[dreg:$0x0] =	wrdreg $0x0  }
0xa9: {  	s5 =	sshll.u32 s28, $0x1;
	[dreg:$0x2] =	wrdreg s4  }
0xaa: {  	[dreg:$0x3] =	wrdreg s5  }
0xab: {  	[dreg:$0x4] =	wrdreg $0xC0  }
0xac: {  	_ =	task [dreg:s8], $0x5FFFF  }
0xad: {  	[dreg:$0x1] =	wrdreg $0xFFFFFFFF  }
0xae: {  	[dreg:$0x0] =	wrdreg $0x60  }
0xaf: {  	[dreg:$0x2] =	wrdreg s2  }
0xb0: {  	[dreg:$0x3] =	wrdreg s19  }
0xb1: {  	[dreg:$0x4] =	wrdreg $0x9  }
0xb2: {  	_ =	task.clear_ibuf [dreg:s8], $0x5FFFF;
	_ =	strace $0x90000046  }
0xb3: {  	s29 =	simm.s32 $0x9;
	_ =	strace $0x80000048  }
0xb4: {  	_ =	swait.ge [sflag:s29], $0x1  }
0xb5: {  	[sflag:s29] =	ssyncadd.s32 $0xFFFFFFFF  }
0xb6: {  	_ =	strace $0x90000048  }
0xb7: {  	_ =	sfence  }
0xb8: {  	s30 =	sld [smem:$0x0];
	_ =	sdelay $0x2  }
0xb9: {  	s31 =	sshll.u32 s1, $0xD;
	s1 =	sshrl.u32 s1, $0x2  }
0xba: {  	s3 =	sand.u32 $0x4000, s31;
	s1 =	sadd.s32 s1, s30  }
0xbb: {  	s0 =	sor.u32 s3, s0;
	s1 =	sshll.u32 s1, $0x11  }
0xbc: {  	s0 =	sor.u32 s1, s0  }
0xbd: {  	s0 =	sadd.s32 $0x8F2B, s0  }
0xbe: {  	[sflag:s0] =	ssyncadd.remote.s32 $0x1  }
0xbf: {  	_ =	sfence.sel $0xFFFF  }
0xc0: {  	[dreg:$0x0] =	wrdreg $0xFFFFFFFF;
	(pc) =	sbr.abs _section_cstart, $3  }
0xc1: {  	[dreg:$0x1] =	wrdreg $0xFFFFFFFF  }
0xc2: {  	_ =	task.clear_ibuf [dreg:s8], $0x2FFFF;
	_ =	strace $0x9FFFFFFF  }
0xc3: {  	(tm) =	ssettm $0x7FFFFFFF  }
tec
execute0_lowered:
.L_overlay_start_1:
0x0: {  	(tag) =	ssettag $0x1  }
0x1: {  	s0 =	srdreg.scid;
	s2 =	rddreg [dreg:$0x0]  }
0x2: {  	s1 =	stileid.u32;
	s3 =	rddreg [dreg:$0x1]  }
0x3: {  	s5 =	simm.s32 $0x0;
	s18 =	simm.s32 $0x400;
	s19 =	simm.s32 $0x8000  }
0x4: {  	s20 =	simm.s32 $0x2000;
	s21 =	simm.s32 $0x4000;
	s22 =	simm.s32 $0x6000  }
0x5: {  	s23 =	simm.s32 $0x1;
	s24 =	simm.s32 $0x2;
	s28 =	simm.s32 $0x3  }
0x6: {  	s29 =	simm.s32 $0x7;
	s30 =	simm.s32 $0xC000;
	s31 =	simm.s32 $0x4  }
0x7: {  	s0 =	sand.u32 $0x1, s0;
	s1 =	sshll.u32 s1, $0xB;
	[smem:$0x7FF] =	sst s5  }
0x8: {  	s14 =	sadd.s32 $0x8000, s3;
	s15 =	sadd.s32 $0x10000, s3;
	s4 =	sshll.u32 s0, $0xA  }
0x9: {  	s16 =	sadd.s32 $0x18000, s3;
	s0 =	ssub.s32 $0x2, s0;
	s4 =	sor.u32 s4, s1  }
0xa: {  	_ =	strace $0x80000047;
	s6 =	sshrl.u32 s0, $0x1;
	s1 =	sshrl.u32 s4, $0x3  }
0xb: {  	s0 =	ssub.s32 s0, s6;
	s10 =	sor.u32 $0x100000, s4;
	s1 =	sadd.s32 s2, s1  }
0xc: {  	s11 =	sor.u32 $0x140000, s4;
	s0 =	smax.u32 s0, $0x1;
	[dreg:$0x3] =	wrdreg s1  }
.Ltmp0:
0xd: {  	s25 =	sadd.s32 $0x8000, s1;
	[dreg:$0x7] =	wrdreg s0;
	(pc) =	sbr.rel .LBB2_1-.Ltmp0, $4  }
0xe: {  	s12 =	sor.u32 $0x180000, s4;
	s26 =	sadd.s32 $0x10000, s1;
	[dreg:$0x4] =	wrdreg s25  }
0xf: {  	s13 =	sor.u32 $0x1C0000, s4;
	s1 =	sadd.s32 $0x18000, s1;
	[dreg:$0x5] =	wrdreg s26  }
0x10: {  	s6 =	simm.s32 $0x0;
	s0 =	simm.s32 $0xE000;
	[dreg:$0x6] =	wrdreg s1  }
0x11: {  	s25 =	simm.s32 $0x6;
	s26 =	simm.s32 $0xA000;
	s1 =	simm.s32 $0x8  }
.LBB2_24:
0x12: {  	s5 =	simm.s32 $0x5  }
0x13: {  	_ =	swait.ge [sflag:s5], $0x2000  }
0x14: {  	[sflag:s5] =	ssyncset.done $0x0  }
0x15: {  	[sflag:s5] =	ssyncadd.s32 $0xFFFFE000  }
0x16: {  	_ =	swait.ge [sflag:s25], $0x2000  }
0x17: {  	[sflag:s25] =	ssyncset.done $0x0  }
0x18: {  	[sflag:s25] =	ssyncadd.s32 $0xFFFFE000  }
0x19: {  	_ =	swait.ge [sflag:s29], $0x2000  }
0x1a: {  	[sflag:s29] =	ssyncset.done $0x0  }
0x1b: {  	[sflag:s29] =	ssyncadd.s32 $0xFFFFE000  }
0x1c: {  	_ =	swait.ge [sflag:s1], $0x2000  }
0x1d: {  	s6 =	rddreg [dreg:$0x8]  }
0x1e: {  	s17 =	rddreg [dreg:$0x7];
	s6 =	sadd.s32 $0x1, s6  }
0x1f: {  	p0 =	sne.s32 s6, s17  }
.Ltmp1:
0x20: {  	_ = 	snop;
	(pc) =	sbr.rel @!p0 .LBB2_25-.Ltmp1, $3  }
0x21: {  	_ =	sdelay $0x1  }
0x22: {  	[sflag:s1] =	ssyncset.done $0x0  }
0x23: {  	[sflag:s1] =	ssyncadd.s32 $0xFFFFE000  }
.LBB2_1:
0x24: {  	[dreg:$0x8] =	wrdreg s6  }
0x25: {  	s5 =	simm.s32 $0x0;
	s7 =	rddreg [dreg:$0x3]  }
0x26: {  	[tilespmem:s5], [sflag:$0x1] =	stream.strided.gather [hbm4b:s7+s18], $0x2000, s19, s18, $0x38;
	[tilespmem:$0x10000] =	vst v63  }
0x27: {  	s8 =	rddreg [dreg:$0x4]  }
0x28: {  	[tilespmem:s20], [sflag:$0x2] =	stream.strided.gather [hbm4b:s8+s18], $0x2000, s19, s18, $0x38;
	[tilespmem:$0x10000] =	vst v63  }
0x29: {  	s9 =	rddreg [dreg:$0x5]  }
0x2a: {  	v1 =	vimm.f32 $0.0e+00;
	v0 =	vimm.f32 $0.0e+00;
	[tilespmem:s21], [sflag:$0x3] =	stream.strided.gather [hbm4b:s9+s18], $0x2000, s19, s18, $0x38;
	[tilespmem:$0x10000] =	vst v63  }
0x2b: {  	s17 =	rddreg [dreg:$0x6];
	v2 =	vimm.f32 $0.0e+00;
	v9 =	vimm.f32 $0.0e+00;
	v4 =	vimm.f32 $0.0e+00;
	s9 =	simm.s32 $0x0  }
0x2c: {  	v7 =	vimm.f32 $0.0e+00;
	v3 =	vimm.f32 $0.0e+00;
	v6 =	vimm.f32 $0.0e+00;
	[tilespmem:s22], [sflag:$0x4] =	stream.strided.gather [hbm4b:s17+s18], $0x2000, s19, s18, $0x38;
	[tilespmem:$0x10000] =	vst v63  }
.LBB2_2:
0x2d: {  	_ =	swait.ge [sflag:s23], $0x2000  }
0x2e: {  	p0 =	seq.s32 s9, $0x0;
	[sflag:s23] =	ssyncset.done $0x0  }
0x2f: {  	s6 =	simm.s32 @!p0 $0x5;
	[sflag:s23] =	ssyncadd.s32 $0xFFFFE000  }
0x30: {  	_ =	swait.ge @!p0 [sflag:s6], $0x2000  }
0x31: {  	[sflag:s6] =	ssyncset.done @!p0 $0x0  }
0x32: {  	s7 =	simm.s32 $0x0;
	[sflag:s6] =	ssyncadd.s32 @!p0 $0xFFFFE000  }
0x33: {  	v13 =	vld [tilespmem:s7+$0x90]  }
0x34: {  	v10 =	vld [tilespmem:s7+$0xE0]  }
0x35: {  	v5 =	vld [tilespmem:s7+$0x60]  }
0x36: {  	v12 =	vld [tilespmem:s7+$0x0]  }
0x37: {  	v11 =	vld [tilespmem:s7+$0x50]  }
0x38: {  	v14 =	vld [tilespmem:s7+$0x10]  }
0x39: {  	p1 =	seq.s32 s9, $0x10;
	v15 =	vld [tilespmem:s7+$0xD0]  }
0x3a: {  	v0 =	vpsel p1, $0x0, v0;
	v16 =	vld [tilespmem:s7+$0x30]  }
0x3b: {  	v2 =	vpsel p1, $0x0, v2;
	v17 =	vld [tilespmem:s7+$0x20];
	v18 =	vadd.f32 v5, v0  }
0x3c: {  	v6 =	vpsel p1, $0x0, v6;
	v8 =	vld [tilespmem:s7+$0xA0];
	v2 =	vadd.f32 v11, v2  }
0x3d: {  	v3 =	vpsel p1, $0x0, v3;
	v5 =	vld [tilespmem:s7+$0x40];
	v6 =	vadd.f32 v12, v6;
	[tilespmem:s7+$0x8060] =	vst v18  }
0x3e: {  	v11 =	vld [tilespmem:s7+$0x70];
	v3 =	vadd.f32 v14, v3;
	[tilespmem:s7+$0x8050] =	vst v2  }
0x3f: {  	v7 =	vpsel p1, $0x0, v7;
	v63 =	vpsel p1, $0x0, v4;
	v12 =	vld [tilespmem:s7+$0x80];
	v0 =	vadd.f32 v10, v18;
	[tilespmem:s7+$0x8000] =	vst v6  }
0x40: {  	v4 =	vpsel p1, $0x0, v9;
	v14 =	vadd.f32 v17, v7;
	v9 =	vadd.f32 v16, v63;
	v10 =	vld [tilespmem:s7+$0xF0];
	[tilespmem:s7+$0x8010] =	vst v3  }
0x41: {  	s17 =	sshll.u32 s9, $0x14;
	v1 =	vpsel p1, $0x0, v1;
	s6 =	simm.s32 $0x400;
	v2 =	vadd.f32 v15, v2;
	v3 =	vadd.f32 v13, v3;
	v13 =	vld [tilespmem:s7+$0xB0];
	[tilespmem:s7+$0x80E0] =	vst v0  }
.LBB2_3:
0x42: {  	s8 =	sshra.s32 s6, $0x2;
	p1 =	sne.s32 s6, $0x7C00;
	s6 =	sadd.s32 $0x400, s6;
	[tilespmem:s7+$0x8030] =	vst v9;
	v7 =	vadd.f32 v8, v14;
	v8 =	vld [tilespmem:s7+$0xC0]  }
0x43: {  	v15 =	vld [tilespmem:s8+$0x90];
	[tilespmem:s7+$0x8020] =	vst v14;
	v1 =	vadd.f32 v11, v1  }
0x44: {  	v4 =	vadd.f32 v5, v4;
	v11 =	vld [tilespmem:s8+$0xE0];
	[tilespmem:s7+$0x80A0] =	vst v7  }
0x45: {  	v5 =	vld [tilespmem:s8+$0x60];
	[tilespmem:s7+$0x8070] =	vst v1;
	v6 =	vadd.f32 v12, v6;
	v1 =	vadd.f32 v10, v1  }
0x46: {  	v10 =	vld [tilespmem:s8+$0x0];
	v9 =	vadd.f32 v13, v9;
	[tilespmem:s7+$0x80D0] =	vst v2  }
0x47: {  	v12 =	vld [tilespmem:s8+$0x10];
	[tilespmem:s7+$0x8040] =	vst v4;
	v4 =	vadd.f32 v8, v4  }
0x48: {  	v13 =	vld [tilespmem:s8+$0x50];
	[tilespmem:s7+$0x8090] =	vst v3  }
0x49: {  	v14 =	vld [tilespmem:s8+$0xD0];
	[tilespmem:s7+$0x80F0] =	vst v1  }
0x4a: {  	v16 =	vld [tilespmem:s8+$0x30];
	v17 =	vadd.f32 v5, v0;
	[tilespmem:s7+$0x80B0] =	vst v9  }
0x4b: {  	v18 =	vld [tilespmem:s8+$0x20];
	[tilespmem:s7+$0x8080] =	vst v6  }
0x4c: {  	v8 =	vld [tilespmem:s8+$0xA0];
	v0 =	vadd.f32 v11, v17;
	[tilespmem:s7+$0x80C0] =	vst v4;
	s7 =	smov.u32 s8  }
.Ltmp2:
0x4d: {  	v5 =	vld [tilespmem:s7+$0x40];
	v2 =	vadd.f32 v13, v2;
	[tilespmem:s7+$0x8060] =	vst v17;
	(pc) =	sbr.rel @p1 .LBB2_3-.Ltmp2, $4  }
0x4e: {  	v6 =	vadd.f32 v10, v6;
	v3 =	vadd.f32 v12, v3;
	v11 =	vld [tilespmem:s7+$0x70];
	[tilespmem:s7+$0x80E0] =	vst v0  }
0x4f: {  	[tilespmem:s7+$0x8050] =	vst v2;
	v2 =	vadd.f32 v14, v2;
	v10 =	vld [tilespmem:s7+$0xF0]  }
0x50: {  	v9 =	vadd.f32 v16, v9;
	[tilespmem:s7+$0x8000] =	vst v6;
	v14 =	vadd.f32 v18, v7;
	v12 =	vld [tilespmem:s7+$0x80]  }
0x51: {  	[tilespmem:s7+$0x8010] =	vst v3;
	v3 =	vadd.f32 v15, v3;
	v13 =	vld [tilespmem:s7+$0xB0]  }
0x52: {  	[tilespmem:s7+$0x8030] =	vst v9  }
0x53: {  	[tilespmem:s7+$0x8020] =	vst v14  }
0x54: {  	v7 =	vadd.f32 v8, v14;
	[tilespmem:s7+$0x80D0] =	vst v2  }
0x55: {  	v8 =	vld [tilespmem:s7+$0xC0];
	v1 =	vadd.f32 v11, v1;
	[tilespmem:s7+$0x8090] =	vst v3  }
0x56: {  	v4 =	vadd.f32 v5, v4;
	[tilespmem:s7+$0x80A0] =	vst v7  }
0x57: {  	[tilespmem:s7+$0x8070] =	vst v1;
	v1 =	vadd.f32 v10, v1  }
0x58: {  	p1 =	sne.s32 s9, $0x1F;
	[tilespmem:s7+$0x8040] =	vst v4;
	v6 =	vadd.f32 v12, v6  }
.Ltmp3:
0x59: {  	v5 =	vadd.f32 v13, v9;
	[tilespmem:s7+$0x80F0] =	vst v1;
	(pc) =	sbr.rel @p1 .LBB2_6-.Ltmp3, $4  }
0x5a: {  	s6 =	sor.u32 s4, s17;
	v4 =	vadd.f32 v8, v4;
	[tilespmem:s7+$0x8080] =	vst v6  }
0x5b: {  	s6 =	sshrl.u32 s6, $0x3;
	[tilespmem:s7+$0x80B0] =	vst v5  }
0x5c: {  	s8 =	sadd.s32 s3, s6;
	[tilespmem:s7+$0x80C0] =	vst v4  }
0x5d: {  	[hbm4b:s8+s18] =	stream.strided.scatter [tilespmem:s19], [sflag:$0x5], $0x2000, s19, s18, $0x38;
	[tilespmem:$0x10000] =	vst v63  }
.Ltmp4:
0x5e: {  	(pc) =	sbr.rel .LBB2_7-.Ltmp4, $4  }
0x5f: {  	_ = 	snop  }
0x60: {  	_ =	swait.ge [sflag:s24], $0x2000  }
0x61: {  	[sflag:s24] =	ssyncset.done $0x0  }
0x62: {  	[sflag:s24] =	ssyncadd.s32 $0xFFFFE000  }
.LBB2_6:
0x63: {  	s7 =	sadd.s32 s10, s17  }
0x64: {  	s7 =	sshrl.u32 s7, $0x3  }
.Ltmp5:
0x65: {  	s5 =	simm.s32 $0x0;
	s7 =	sadd.s32 s2, s7;
	(pc) =	sbr.rel @p0 .LBB2_8-.Ltmp5, $4  }
0x66: {  	[tilespmem:s5], [sflag:$0x1] =	stream.strided.gather [hbm4b:s7+s18], $0x2000, s19, s18, $0x38;
	[tilespmem:$0x10000] =	vst v63  }
0x67: {  	_ =	swait.ge [sflag:s24], $0x2000  }
0x68: {  	[sflag:s24] =	ssyncset.done $0x0  }
0x69: {  	[sflag:s24] =	ssyncadd.s32 $0xFFFFE000  }
.LBB2_7:
0x6a: {  	_ =	swait.ge [sflag:s25], $0x2000  }
0x6b: {  	[sflag:s25] =	ssyncset.done $0x0  }
0x6c: {  	[sflag:s25] =	ssyncadd.s32 $0xFFFFE000  }
.LBB2_8:
0x6d: {  	s7 =	simm.s32 $0x0  }
0x6e: {  	v13 =	vld [tilespmem:s7+$0x2090]  }
0x6f: {  	v10 =	vld [tilespmem:s7+$0x20E0]  }
0x70: {  	v8 =	vld [tilespmem:s7+$0x2060]  }
0x71: {  	v12 =	vld [tilespmem:s7+$0x2000]  }
0x72: {  	v11 =	vld [tilespmem:s7+$0x2050]  }
0x73: {  	v14 =	vld [tilespmem:s7+$0x2010]  }
0x74: {  	v15 =	vld [tilespmem:s7+$0x20D0]  }
0x75: {  	v16 =	vld [tilespmem:s7+$0x2030]  }
0x76: {  	v17 =	vld [tilespmem:s7+$0x2020];
	v18 =	vadd.f32 v8, v0  }
0x77: {  	v9 =	vld [tilespmem:s7+$0x20A0];
	v2 =	vadd.f32 v11, v2  }
0x78: {  	v8 =	vld [tilespmem:s7+$0x2040];
	v6 =	vadd.f32 v12, v6;
	[tilespmem:s7+$0xA060] =	vst v18  }
0x79: {  	v11 =	vld [tilespmem:s7+$0x2070];
	v3 =	vadd.f32 v14, v3;
	[tilespmem:s7+$0xA050] =	vst v2  }
0x7a: {  	v12 =	vld [tilespmem:s7+$0x2080];
	v0 =	vadd.f32 v10, v18;
	[tilespmem:s7+$0xA000] =	vst v6  }
0x7b: {  	v14 =	vadd.f32 v17, v7;
	v7 =	vadd.f32 v16, v5;
	v10 =	vld [tilespmem:s7+$0x20F0];
	[tilespmem:s7+$0xA010] =	vst v3  }
0x7c: {  	s8 =	simm.s32 $0x400;
	v2 =	vadd.f32 v15, v2;
	v3 =	vadd.f32 v13, v3;
	v13 =	vld [tilespmem:s7+$0x20B0];
	[tilespmem:s7+$0xA0E0] =	vst v0  }
.LBB2_9:
0x7d: {  	s5 =	sshra.s32 s8, $0x2;
	p2 =	sne.s32 s8, $0x7C00;
	s8 =	sadd.s32 $0x400, s8;
	[tilespmem:s7+$0xA030] =	vst v7;
	v5 =	vadd.f32 v9, v14;
	v9 =	vld [tilespmem:s7+$0x20C0]  }
0x7e: {  	v15 =	vld [tilespmem:s5+$0x2090];
	[tilespmem:s7+$0xA020] =	vst v14;
	v1 =	vadd.f32 v11, v1  }
0x7f: {  	v4 =	vadd.f32 v8, v4;
	v11 =	vld [tilespmem:s5+$0x20E0];
	[tilespmem:s7+$0xA0A0] =	vst v5  }
0x80: {  	v8 =	vld [tilespmem:s5+$0x2060];
	[tilespmem:s7+$0xA070] =	vst v1;
	v6 =	vadd.f32 v12, v6;
	v1 =	vadd.f32 v10, v1  }
0x81: {  	v10 =	vld [tilespmem:s5+$0x2000];
	v7 =	vadd.f32 v13, v7;
	[tilespmem:s7+$0xA0D0] =	vst v2  }
0x82: {  	v12 =	vld [tilespmem:s5+$0x2010];
	[tilespmem:s7+$0xA040] =	vst v4;
	v4 =	vadd.f32 v9, v4  }
0x83: {  	v13 =	vld [tilespmem:s5+$0x2050];
	[tilespmem:s7+$0xA090] =	vst v3  }
0x84: {  	v14 =	vld [tilespmem:s5+$0x20D0];
	[tilespmem:s7+$0xA0F0] =	vst v1  }
0x85: {  	v16 =	vld [tilespmem:s5+$0x2030];
	v17 =	vadd.f32 v8, v0;
	[tilespmem:s7+$0xA0B0] =	vst v7  }
0x86: {  	v18 =	vld [tilespmem:s5+$0x2020];
	[tilespmem:s7+$0xA080] =	vst v6  }
0x87: {  	v9 =	vld [tilespmem:s5+$0x20A0];
	v0 =	vadd.f32 v11, v17;
	[tilespmem:s7+$0xA0C0] =	vst v4;
	s7 =	smov.u32 s5  }
.Ltmp6:
0x88: {  	v8 =	vld [tilespmem:s7+$0x2040];
	v2 =	vadd.f32 v13, v2;
	[tilespmem:s7+$0xA060] =	vst v17;
	(pc) =	sbr.rel @p2 .LBB2_9-.Ltmp6, $4  }
0x89: {  	v6 =	vadd.f32 v10, v6;
	v3 =	vadd.f32 v12, v3;
	v11 =	vld [tilespmem:s7+$0x2070];
	[tilespmem:s7+$0xA0E0] =	vst v0  }
0x8a: {  	[tilespmem:s7+$0xA050] =	vst v2;
	v2 =	vadd.f32 v14, v2;
	v10 =	vld [tilespmem:s7+$0x20F0]  }
0x8b: {  	v7 =	vadd.f32 v16, v7;
	[tilespmem:s7+$0xA000] =	vst v6;
	v14 =	vadd.f32 v18, v5;
	v12 =	vld [tilespmem:s7+$0x2080]  }
0x8c: {  	[tilespmem:s7+$0xA010] =	vst v3;
	v3 =	vadd.f32 v15, v3;
	v13 =	vld [tilespmem:s7+$0x20B0]  }
0x8d: {  	[tilespmem:s7+$0xA030] =	vst v7  }
0x8e: {  	[tilespmem:s7+$0xA020] =	vst v14  }
0x8f: {  	v5 =	vadd.f32 v9, v14;
	[tilespmem:s7+$0xA0D0] =	vst v2  }
0x90: {  	v9 =	vld [tilespmem:s7+$0x20C0];
	v1 =	vadd.f32 v11, v1;
	[tilespmem:s7+$0xA090] =	vst v3  }
0x91: {  	v4 =	vadd.f32 v8, v4;
	[tilespmem:s7+$0xA0A0] =	vst v5  }
0x92: {  	[tilespmem:s7+$0xA070] =	vst v1;
	v1 =	vadd.f32 v10, v1  }
0x93: {  	[tilespmem:s7+$0xA040] =	vst v4;
	v6 =	vadd.f32 v12, v6  }
.Ltmp7:
0x94: {  	v8 =	vadd.f32 v13, v7;
	[tilespmem:s7+$0xA0F0] =	vst v1;
	(pc) =	sbr.rel @p1 .LBB2_12-.Ltmp7, $4  }
0x95: {  	v4 =	vadd.f32 v9, v4;
	[tilespmem:s7+$0xA080] =	vst v6  }
0x96: {  	[tilespmem:s7+$0xA0B0] =	vst v8  }
0x97: {  	s5 =	sadd.s32 s6, s14;
	[tilespmem:s7+$0xA0C0] =	vst v4  }
0x98: {  	[hbm4b:s5+s18] =	stream.strided.scatter [tilespmem:s26], [sflag:$0x6], $0x2000, s19, s18, $0x38;
	[tilespmem:$0x10000] =	vst v63  }
.Ltmp8:
0x99: {  	(pc) =	sbr.rel .LBB2_13-.Ltmp8, $4  }
0x9a: {  	_ = 	snop  }
0x9b: {  	_ =	swait.ge [sflag:s28], $0x2000  }
0x9c: {  	[sflag:s28] =	ssyncset.done $0x0  }
0x9d: {  	[sflag:s28] =	ssyncadd.s32 $0xFFFFE000  }
.LBB2_12:
0x9e: {  	s5 =	sadd.s32 s11, s17  }
0x9f: {  	s5 =	sshrl.u32 s5, $0x3  }
.Ltmp9:
0xa0: {  	s5 =	sadd.s32 s2, s5;
	(pc) =	sbr.rel @p0 .LBB2_14-.Ltmp9, $4  }
0xa1: {  	[tilespmem:s20], [sflag:$0x2] =	stream.strided.gather [hbm4b:s5+s18], $0x2000, s19, s18, $0x38;
	[tilespmem:$0x10000] =	vst v63  }
0xa2: {  	_ =	swait.ge [sflag:s28], $0x2000  }
0xa3: {  	[sflag:s28] =	ssyncset.done $0x0  }
0xa4: {  	[sflag:s28] =	ssyncadd.s32 $0xFFFFE000  }
.LBB2_13:
0xa5: {  	_ =	swait.ge [sflag:s29], $0x2000  }
0xa6: {  	[sflag:s29] =	ssyncset.done $0x0  }
0xa7: {  	[sflag:s29] =	ssyncadd.s32 $0xFFFFE000  }
.LBB2_14:
0xa8: {  	s7 =	simm.s32 $0x0  }
0xa9: {  	v13 =	vld [tilespmem:s7+$0x4090]  }
0xaa: {  	v10 =	vld [tilespmem:s7+$0x40E0]  }
0xab: {  	v7 =	vld [tilespmem:s7+$0x4060]  }
0xac: {  	v12 =	vld [tilespmem:s7+$0x4000]  }
0xad: {  	v11 =	vld [tilespmem:s7+$0x4050]  }
0xae: {  	v14 =	vld [tilespmem:s7+$0x4010]  }
0xaf: {  	v15 =	vld [tilespmem:s7+$0x40D0]  }
0xb0: {  	v16 =	vld [tilespmem:s7+$0x4030]  }
0xb1: {  	v17 =	vld [tilespmem:s7+$0x4020];
	v18 =	vadd.f32 v7, v0  }
0xb2: {  	v9 =	vld [tilespmem:s7+$0x40A0];
	v2 =	vadd.f32 v11, v2  }
0xb3: {  	v7 =	vld [tilespmem:s7+$0x4040];
	v6 =	vadd.f32 v12, v6;
	[tilespmem:s7+$0xC060] =	vst v18  }
0xb4: {  	v11 =	vld [tilespmem:s7+$0x4070];
	v3 =	vadd.f32 v14, v3;
	[tilespmem:s7+$0xC050] =	vst v2  }
0xb5: {  	v12 =	vld [tilespmem:s7+$0x4080];
	v0 =	vadd.f32 v10, v18;
	[tilespmem:s7+$0xC000] =	vst v6  }
0xb6: {  	v14 =	vadd.f32 v17, v5;
	v8 =	vadd.f32 v16, v8;
	v10 =	vld [tilespmem:s7+$0x40F0];
	[tilespmem:s7+$0xC010] =	vst v3  }
0xb7: {  	s8 =	simm.s32 $0x400;
	v2 =	vadd.f32 v15, v2;
	v3 =	vadd.f32 v13, v3;
	v13 =	vld [tilespmem:s7+$0x40B0];
	[tilespmem:s7+$0xC0E0] =	vst v0  }
.LBB2_15:
0xb8: {  	s5 =	sshra.s32 s8, $0x2;
	p2 =	sne.s32 s8, $0x7C00;
	s8 =	sadd.s32 $0x400, s8;
	[tilespmem:s7+$0xC030] =	vst v8;
	v5 =	vadd.f32 v9, v14;
	v9 =	vld [tilespmem:s7+$0x40C0]  }
0xb9: {  	v15 =	vld [tilespmem:s5+$0x4090];
	[tilespmem:s7+$0xC020] =	vst v14;
	v1 =	vadd.f32 v11, v1  }
0xba: {  	v4 =	vadd.f32 v7, v4;
	v11 =	vld [tilespmem:s5+$0x40E0];
	[tilespmem:s7+$0xC0A0] =	vst v5  }
0xbb: {  	v7 =	vld [tilespmem:s5+$0x4060];
	[tilespmem:s7+$0xC070] =	vst v1;
	v6 =	vadd.f32 v12, v6;
	v1 =	vadd.f32 v10, v1  }
0xbc: {  	v10 =	vld [tilespmem:s5+$0x4000];
	v8 =	vadd.f32 v13, v8;
	[tilespmem:s7+$0xC0D0] =	vst v2  }
0xbd: {  	v12 =	vld [tilespmem:s5+$0x4010];
	[tilespmem:s7+$0xC040] =	vst v4;
	v4 =	vadd.f32 v9, v4  }
0xbe: {  	v13 =	vld [tilespmem:s5+$0x4050];
	[tilespmem:s7+$0xC090] =	vst v3  }
0xbf: {  	v14 =	vld [tilespmem:s5+$0x40D0];
	[tilespmem:s7+$0xC0F0] =	vst v1  }
0xc0: {  	v16 =	vld [tilespmem:s5+$0x4030];
	v17 =	vadd.f32 v7, v0;
	[tilespmem:s7+$0xC0B0] =	vst v8  }
0xc1: {  	v18 =	vld [tilespmem:s5+$0x4020];
	[tilespmem:s7+$0xC080] =	vst v6  }
0xc2: {  	v9 =	vld [tilespmem:s5+$0x40A0];
	v0 =	vadd.f32 v11, v17;
	[tilespmem:s7+$0xC0C0] =	vst v4;
	s7 =	smov.u32 s5  }
.Ltmp10:
0xc3: {  	v7 =	vld [tilespmem:s7+$0x4040];
	v2 =	vadd.f32 v13, v2;
	[tilespmem:s7+$0xC060] =	vst v17;
	(pc) =	sbr.rel @p2 .LBB2_15-.Ltmp10, $4  }
0xc4: {  	v6 =	vadd.f32 v10, v6;
	v3 =	vadd.f32 v12, v3;
	v11 =	vld [tilespmem:s7+$0x4070];
	[tilespmem:s7+$0xC0E0] =	vst v0  }
0xc5: {  	[tilespmem:s7+$0xC050] =	vst v2;
	v2 =	vadd.f32 v14, v2;
	v10 =	vld [tilespmem:s7+$0x40F0]  }
0xc6: {  	v8 =	vadd.f32 v16, v8;
	[tilespmem:s7+$0xC000] =	vst v6;
	v14 =	vadd.f32 v18, v5;
	v12 =	vld [tilespmem:s7+$0x4080]  }
0xc7: {  	[tilespmem:s7+$0xC010] =	vst v3;
	v3 =	vadd.f32 v15, v3;
	v13 =	vld [tilespmem:s7+$0x40B0]  }
0xc8: {  	[tilespmem:s7+$0xC030] =	vst v8  }
0xc9: {  	[tilespmem:s7+$0xC020] =	vst v14  }
0xca: {  	v5 =	vadd.f32 v9, v14;
	[tilespmem:s7+$0xC0D0] =	vst v2  }
0xcb: {  	v63 =	vld [tilespmem:s7+$0x40C0];
	v1 =	vadd.f32 v11, v1;
	[tilespmem:s7+$0xC090] =	vst v3  }
0xcc: {  	v4 =	vadd.f32 v7, v4;
	[tilespmem:s7+$0xC0A0] =	vst v5  }
0xcd: {  	[tilespmem:s7+$0xC070] =	vst v1;
	v1 =	vadd.f32 v10, v1  }
0xce: {  	[tilespmem:s7+$0xC040] =	vst v4;
	v6 =	vadd.f32 v12, v6  }
.Ltmp11:
0xcf: {  	v7 =	vadd.f32 v13, v8;
	[tilespmem:s7+$0xC0F0] =	vst v1;
	(pc) =	sbr.rel @p1 .LBB2_18-.Ltmp11, $4  }
0xd0: {  	v4 =	vadd.f32 v63, v4;
	[tilespmem:s7+$0xC080] =	vst v6  }
0xd1: {  	[tilespmem:s7+$0xC0B0] =	vst v7  }
0xd2: {  	s5 =	sadd.s32 s6, s15;
	[tilespmem:s7+$0xC0C0] =	vst v4  }
0xd3: {  	[hbm4b:s5+s18] =	stream.strided.scatter [tilespmem:s30], [sflag:$0x7], $0x2000, s19, s18, $0x38;
	[tilespmem:$0x10000] =	vst v63  }
.Ltmp12:
0xd4: {  	(pc) =	sbr.rel .LBB2_19-.Ltmp12, $4  }
0xd5: {  	_ = 	snop  }
0xd6: {  	_ =	swait.ge [sflag:s31], $0x2000  }
0xd7: {  	[sflag:s31] =	ssyncset.done $0x0  }
0xd8: {  	[sflag:s31] =	ssyncadd.s32 $0xFFFFE000  }
.LBB2_18:
0xd9: {  	s5 =	sadd.s32 s12, s17  }
0xda: {  	s5 =	sshrl.u32 s5, $0x3  }
.Ltmp13:
0xdb: {  	s5 =	sadd.s32 s2, s5;
	(pc) =	sbr.rel @p0 .LBB2_20-.Ltmp13, $4  }
0xdc: {  	[tilespmem:s21], [sflag:$0x3] =	stream.strided.gather [hbm4b:s5+s18], $0x2000, s19, s18, $0x38;
	[tilespmem:$0x10000] =	vst v63  }
0xdd: {  	_ =	swait.ge [sflag:s31], $0x2000  }
0xde: {  	[sflag:s31] =	ssyncset.done $0x0  }
0xdf: {  	[sflag:s31] =	ssyncadd.s32 $0xFFFFE000  }
.LBB2_19:
0xe0: {  	_ =	swait.ge [sflag:s1], $0x2000  }
0xe1: {  	[sflag:s1] =	ssyncset.done $0x0  }
0xe2: {  	[sflag:s1] =	ssyncadd.s32 $0xFFFFE000  }
.LBB2_20:
0xe3: {  	s7 =	simm.s32 $0x0  }
0xe4: {  	v13 =	vld [tilespmem:s7+$0x6090]  }
0xe5: {  	v10 =	vld [tilespmem:s7+$0x60E0]  }
0xe6: {  	v8 =	vld [tilespmem:s7+$0x6060]  }
0xe7: {  	v12 =	vld [tilespmem:s7+$0x6000]  }
0xe8: {  	v11 =	vld [tilespmem:s7+$0x6050]  }
0xe9: {  	v14 =	vld [tilespmem:s7+$0x6010]  }
0xea: {  	v15 =	vld [tilespmem:s7+$0x60D0]  }
0xeb: {  	v16 =	vld [tilespmem:s7+$0x6030]  }
0xec: {  	v17 =	vld [tilespmem:s7+$0x6020];
	v18 =	vadd.f32 v8, v0  }
0xed: {  	v9 =	vld [tilespmem:s7+$0x60A0];
	v2 =	vadd.f32 v11, v2  }
0xee: {  	v8 =	vld [tilespmem:s7+$0x6040];
	v6 =	vadd.f32 v12, v6;
	[tilespmem:s7+$0xE060] =	vst v18  }
0xef: {  	v11 =	vld [tilespmem:s7+$0x6070];
	v3 =	vadd.f32 v14, v3;
	[tilespmem:s7+$0xE050] =	vst v2  }
0xf0: {  	v12 =	vld [tilespmem:s7+$0x6080];
	v0 =	vadd.f32 v10, v18;
	[tilespmem:s7+$0xE000] =	vst v6  }
0xf1: {  	v14 =	vadd.f32 v17, v5;
	v5 =	vadd.f32 v16, v7;
	v10 =	vld [tilespmem:s7+$0x60F0];
	[tilespmem:s7+$0xE010] =	vst v3  }
0xf2: {  	s8 =	simm.s32 $0x400;
	v2 =	vadd.f32 v15, v2;
	v3 =	vadd.f32 v13, v3;
	v13 =	vld [tilespmem:s7+$0x60B0];
	[tilespmem:s7+$0xE0E0] =	vst v0  }
.LBB2_21:
0xf3: {  	s5 =	sshra.s32 s8, $0x2;
	p0 =	sne.s32 s8, $0x7C00;
	s8 =	sadd.s32 $0x400, s8;
	[tilespmem:s7+$0xE030] =	vst v5;
	v7 =	vadd.f32 v9, v14;
	v9 =	vld [tilespmem:s7+$0x60C0]  }
0xf4: {  	v15 =	vld [tilespmem:s5+$0x6090];
	[tilespmem:s7+$0xE020] =	vst v14;
	v1 =	vadd.f32 v11, v1  }
0xf5: {  	v4 =	vadd.f32 v8, v4;
	v11 =	vld [tilespmem:s5+$0x60E0];
	[tilespmem:s7+$0xE0A0] =	vst v7  }
0xf6: {  	v8 =	vld [tilespmem:s5+$0x6060];
	[tilespmem:s7+$0xE070] =	vst v1;
	v6 =	vadd.f32 v12, v6;
	v1 =	vadd.f32 v10, v1  }
0xf7: {  	v10 =	vld [tilespmem:s5+$0x6000];
	v5 =	vadd.f32 v13, v5;
	[tilespmem:s7+$0xE0D0] =	vst v2  }
0xf8: {  	v12 =	vld [tilespmem:s5+$0x6010];
	[tilespmem:s7+$0xE040] =	vst v4;
	v4 =	vadd.f32 v9, v4  }
0xf9: {  	v13 =	vld [tilespmem:s5+$0x6050];
	[tilespmem:s7+$0xE090] =	vst v3  }
0xfa: {  	v14 =	vld [tilespmem:s5+$0x60D0];
	[tilespmem:s7+$0xE0F0] =	vst v1  }
0xfb: {  	v16 =	vld [tilespmem:s5+$0x6030];
	v17 =	vadd.f32 v8, v0;
	[tilespmem:s7+$0xE0B0] =	vst v5  }
0xfc: {  	v18 =	vld [tilespmem:s5+$0x6020];
	[tilespmem:s7+$0xE080] =	vst v6  }
0xfd: {  	v9 =	vld [tilespmem:s5+$0x60A0];
	v0 =	vadd.f32 v11, v17;
	[tilespmem:s7+$0xE0C0] =	vst v4;
	s7 =	smov.u32 s5  }
.Ltmp14:
0xfe: {  	v8 =	vld [tilespmem:s7+$0x6040];
	v2 =	vadd.f32 v13, v2;
	[tilespmem:s7+$0xE060] =	vst v17;
	(pc) =	sbr.rel @p0 .LBB2_21-.Ltmp14, $4  }
0xff: {  	v6 =	vadd.f32 v10, v6;
	v3 =	vadd.f32 v12, v3;
	v11 =	vld [tilespmem:s7+$0x6070];
	[tilespmem:s7+$0xE0E0] =	vst v0  }
0x100: {  	[tilespmem:s7+$0xE050] =	vst v2;
	v2 =	vadd.f32 v14, v2;
	v10 =	vld [tilespmem:s7+$0x60F0]  }
0x101: {  	v5 =	vadd.f32 v16, v5;
	[tilespmem:s7+$0xE000] =	vst v6;
	v14 =	vadd.f32 v18, v7;
	v12 =	vld [tilespmem:s7+$0x6080]  }
0x102: {  	[tilespmem:s7+$0xE010] =	vst v3;
	v3 =	vadd.f32 v15, v3;
	v13 =	vld [tilespmem:s7+$0x60B0]  }
0x103: {  	[tilespmem:s7+$0xE030] =	vst v5  }
0x104: {  	[tilespmem:s7+$0xE020] =	vst v14  }
0x105: {  	v7 =	vadd.f32 v9, v14;
	[tilespmem:s7+$0xE0D0] =	vst v2  }
0x106: {  	v9 =	vld [tilespmem:s7+$0x60C0];
	v1 =	vadd.f32 v11, v1;
	[tilespmem:s7+$0xE090] =	vst v3  }
0x107: {  	v8 =	vadd.f32 v8, v4;
	[tilespmem:s7+$0xE0A0] =	vst v7  }
0x108: {  	[tilespmem:s7+$0xE070] =	vst v1;
	v1 =	vadd.f32 v10, v1  }
0x109: {  	p0 =	seq.s32 s9, $0x1F;
	[tilespmem:s7+$0xE040] =	vst v8;
	v6 =	vadd.f32 v12, v6  }
.Ltmp15:
0x10a: {  	v4 =	vadd.f32 v13, v5;
	[tilespmem:s7+$0xE0F0] =	vst v1;
	(pc) =	sbr.rel @p0 .LBB2_24-.Ltmp15, $4  }
0x10b: {  	v9 =	vadd.f32 v9, v8;
	[tilespmem:s7+$0xE080] =	vst v6  }
0x10c: {  	[tilespmem:s7+$0xE0B0] =	vst v4  }
0x10d: {  	s5 =	sadd.s32 s6, s16;
	[tilespmem:s7+$0xE0C0] =	vst v9  }
0x10e: {  	[hbm4b:s5+s18] =	stream.strided.scatter [tilespmem:s0], [sflag:$0x8], $0x2000, s19, s18, $0x38;
	[tilespmem:$0x10000] =	vst v63  }
.Ltmp16:
0x10f: {  	(pc) =	sbr.rel .LBB2_2-.Ltmp16, $4  }
0x110: {  	s5 =	sadd.s32 s13, s17  }
0x111: {  	s5 =	sshrl.u32 s5, $0x3  }
0x112: {  	s9 =	sadd.s32 $0x1, s9;
	s5 =	sadd.s32 s2, s5  }
0x113: {  	[tilespmem:s22], [sflag:$0x4] =	stream.strided.gather [hbm4b:s5+s18], $0x2000, s19, s18, $0x38;
	[tilespmem:$0x10000] =	vst v63  }
.LBB2_25:
0x114: {  	_ =	sfence.sel $0x180000  }
0x115: {  	[bflag:$0x0] =	sbarrier.arrive $0xFFFF  }
0x116: {  	_ =	strace $0x90000047  }
0x117: {  	s0 =	stileid.u32;
	[bflag:$0x2] =	sbarrier.arrive $0xFFFF  }
0x118: {  	p0 =	sne.s32 s0, $0x0;
	s0 =	rddreg [dreg:$0x2]  }
0x119: {  	s0 =	sadd.s32 @!p0 $0x100000, s0  }
0x11a: {  	[sflag:s0] =	ssyncadd.tile.s32 @!p0 $0x1;
	_ =	shalt  }
.Lfunc_end2:
_tile_overlayer_lowered:
.L_overlay_start_2:
0x11b: {  	(tag) =	ssettag $0x2  }
0x11c: {  	s0 =	rddreg [dreg:$0x0];
	s2 =	stileid.u32  }
0x11d: {  	s1 =	rddreg [dreg:$0x1];
	p0 =	sne.s32 s2, $0x0  }
0x11e: {  	s3 =	rddreg [dreg:$0x2];
	[bflag:$0x3] =	sbarrier.arrive $0xFFFF;
	s2 =	simm.s32 @!p0 $0x1C09  }
0x11f: {  	[timem:s3], [sflag:s2] =	dma.local @!p0 [hbm:s0], s1  }
0x120: {  	s0 =	simm.s32 @!p0 $0x9  }
0x121: {  	_ =	swait.ge @!p0 [sflag:s0], s1  }
0x122: {  	s1 =	ssub.s32 @!p0 $0x0, s1;
	[sflag:s0] =	ssyncset.done @!p0 $0x0  }
0x123: {  	[sflag:s0] =	ssyncadd.s32 @!p0 s1  }
0x124: {  	[bflag:$0x3] =	sbarrier.arrive $0xFFFF  }
0x125: {  	_ =	shalt  }

</sc_bundles>
